<compile_context>
chip_gen: v7x
topology: tpu7x:2x2x1
jax: 0.10.2.dev20260603
libtpu: 0.0.44.dev20260713+nightly
codegen_flags: <defaults>
</compile_context>

<pallas_src>
import functools

import jax
import jax.numpy as jnp
from jax import lax
from jax.experimental import pallas as pl
from jax.experimental.pallas import tpu as pltpu
from jax.experimental.pallas import tpu_sc as plsc

_B = 32
_NOBJ = 12
_NCLS = 21
_THRESH = 0.5
_VAR0 = 0.1
_VAR1 = 0.2
_BIS = 34
_PP = 8832
_CH = _PP // 16


def _match_body(tgt_ref, pri_ref, mt_ref, P):
    tgt = tgt_ref[0]
    gx1 = tgt[:, 1:2]
    gy1 = tgt[:, 2:3]
    gx2 = tgt[:, 3:4]
    gy2 = tgt[:, 4:5]

    pcx = pri_ref[0:1, :]
    pcy = pri_ref[1:2, :]
    pw = pri_ref[2:3, :]
    ph = pri_ref[3:4, :]
    px1 = pcx - pw * 0.5
    py1 = pcy - ph * 0.5
    px2 = pcx + pw * 0.5
    py2 = pcy + ph * 0.5

    iw = jnp.maximum(jnp.minimum(gx2, px2) - jnp.maximum(gx1, px1), 0.0)
    ih = jnp.maximum(jnp.minimum(gy2, py2) - jnp.maximum(gy1, py1), 0.0)
    inter = iw * ih
    area_g = (gx2 - gx1) * (gy2 - gy1)
    area_p = pw * ph
    ov = inter / (area_g + area_p - inter)

    g_iota = jax.lax.broadcasted_iota(jnp.int32, (_NOBJ, P), 0)
    l_iota = jax.lax.broadcasted_iota(jnp.int32, (_NOBJ, P), 1)

    btov = jnp.max(ov, axis=0, keepdims=True)
    bti = jnp.min(jnp.where(ov == btov, g_iota, _NOBJ), axis=0, keepdims=True)

    bpo = jnp.max(ov, axis=1, keepdims=True)
    bpi = jnp.min(jnp.where(ov == bpo, l_iota, P), axis=1, keepdims=True)
    cm = l_iota == bpi
    winner = jnp.max(jnp.where(cm, g_iota, -1), axis=0, keepdims=True)
    claimed = winner >= 0

    bti_f = jnp.where(claimed, winner, bti)
    btov_f = jnp.where(claimed, 2.0, btov)

    onehot = (g_iota == bti_f).astype(jnp.float32)
    attrs = jax.lax.dot_general(
        jnp.transpose(tgt), onehot,
        (((1,), (0,)), ((), ())),
        preferred_element_type=jnp.float32)
    label_t = attrs[0:1, :]
    mx1 = attrs[1:2, :]
    my1 = attrs[2:3, :]
    mx2 = attrs[3:4, :]
    my2 = attrs[4:5, :]

    mt_ref[0, 0:1, :] = jnp.where(btov_f < _THRESH, 0.0, label_t)
    mt_ref[0, 1:2, :] = ((mx1 + mx2) * 0.5 - pcx) / (_VAR0 * pw)
    mt_ref[0, 2:3, :] = ((my1 + my2) * 0.5 - pcy) / (_VAR0 * ph)
    mt_ref[0, 3:4, :] = jnp.log((mx2 - mx1) / pw) / _VAR1
    mt_ref[0, 4:5, :] = jnp.log((my2 - my1) / ph) / _VAR1
    mt_ref[0, 5:8, :] = jnp.zeros((3, P), jnp.float32)


def _loss_body(loc_p_ref, conf_p_ref, mt_ref, mine_ref, sc_ref,
               accf_ref, P):
    i = pl.program_id(0)

    @pl.when(i == 0)
    def _init():
        accf_ref[0] = 0.0
        accf_ref[1] = 0.0
        accf_ref[2] = 0.0

    conf_t = mt_ref[0, 0:1, :]
    pos = conf_t > 0.0
    posf = pos.astype(jnp.float32)
    np_i = jnp.sum(posf)

    d = loc_p_ref[0] - mt_ref[0, 1:5, :]
    ad = jnp.abs(d)
    term = jnp.where(ad < 1.0, 0.5 * d * d, ad - 0.5)
    s_sl1 = jnp.sum(term * posf)

    cp = conf_p_ref[0]
    m = jnp.max(cp, axis=0, keepdims=True)
    s = jnp.sum(jnp.exp(cp - m), axis=0, keepdims=True)
    lse = jnp.log(s) + m
    cls_iota = jax.lax.broadcasted_iota(jnp.int32, (_NCLS, P), 0)
    cti = conf_t.astype(jnp.int32)
    gathered = jnp.sum(jnp.where(cls_iota == cti, cp, 0.0),
                       axis=0, keepdims=True)
    ce = lse - gathered

    ce_pos = jnp.sum(ce * posf)
    row = jnp.where(pos, -1.0, ce)
    pad = jnp.full((1, _PP - P), -1.0, jnp.float32)
    mine_ref[pl.ds(i, 1), :] = jnp.concatenate([row, pad], axis=1)

    accf_ref[0] = accf_ref[0] + s_sl1
    accf_ref[1] = accf_ref[1] + ce_pos
    accf_ref[2] = accf_ref[2] + np_i

    @pl.when(i == _B - 1)
    def _finish():
        sc_ref[0] = accf_ref[0]
        sc_ref[1] = accf_ref[1]
        sc_ref[2] = accf_ref[2]


def _mine_body(mine_hbm, ki_hbm, out_hbm, row_v, ki_v, sv_v, cv_v, hi_v,
               sem):
    wid = lax.axis_index("s") * 2 + lax.axis_index("c")
    pltpu.sync_copy(mine_hbm.at[pl.ds(wid * _PP, _PP)], row_v)
    pltpu.sync_copy(ki_hbm, ki_v)
    k = ki_v[...][0]

    hi0 = jnp.float32(64.0)
    lo0 = jnp.float32(0.0)

    def bis(_, carry):
        lo, hi = carry
        mid = 0.5 * (lo + hi)
        midv = jnp.full((16,), mid, jnp.float32)

        def cnt_step(j, c):
            v = row_v[pl.ds(j * 16, 16)]
            return c + jnp.where(v > midv, 1, 0).astype(jnp.int32)

        cvec = lax.fori_loop(0, _CH, cnt_step,
                             jnp.zeros((16,), jnp.int32), unroll=8)
        c = cvec[0]
        for lane in range(1, 16):
            c = c + cvec[lane]
        pred = c > k
        return jnp.where(pred, mid, lo), jnp.where(pred, hi, mid)

    lo, hi = lax.fori_loop(0, _BIS, bis, (lo0, hi0))
    hiv = jnp.full((16,), hi, jnp.float32)

    def fin_step(j, carry):
        sv, cv = carry
        v = row_v[pl.ds(j * 16, 16)]
        gt = v > hiv
        return (sv + jnp.where(gt, v, 0.0), cv + jnp.where(gt, 1.0, 0.0))

    sv, cv = lax.fori_loop(
        0, _CH, fin_step,
        (jnp.zeros((16,), jnp.float32), jnp.zeros((16,), jnp.float32)),
        unroll=8)
    sv_v[...] = sv
    cv_v[...] = cv
    hi_v[...] = hiv
    pltpu.sync_copy(sv_v, out_hbm.at[pl.ds(wid * 48, 16)])
    pltpu.sync_copy(cv_v, out_hbm.at[pl.ds(wid * 48 + 16, 16)])
    pltpu.sync_copy(hi_v, out_hbm.at[pl.ds(wid * 48 + 32, 16)])


def kernel(p, targets, priors):
    B, P, _ = p.shape
    loc_p = jnp.transpose(p[:, :, :4], (0, 2, 1))
    conf_p = jnp.transpose(p[:, :, 4:], (0, 2, 1))
    pri_t = jnp.transpose(priors, (1, 0))

    mt = pl.pallas_call(
        functools.partial(_match_body, P=P),
        grid=(B,),
        in_specs=[
            pl.BlockSpec((1, _NOBJ, 5), lambda i: (i, 0, 0)),
            pl.BlockSpec((4, P), lambda i: (0, 0)),
        ],
        out_specs=pl.BlockSpec((1, 8, P), lambda i: (i, 0, 0)),
        out_shape=jax.ShapeDtypeStruct((B, 8, P), jnp.float32),
        compiler_params=pltpu.CompilerParams(
            dimension_semantics=("arbitrary",),
        ),
    )(targets, pri_t)

    mine, scal = pl.pallas_call(
        functools.partial(_loss_body, P=P),
        grid=(B,),
        in_specs=[
            pl.BlockSpec((1, 4, P), lambda i: (i, 0, 0)),
            pl.BlockSpec((1, _NCLS, P), lambda i: (i, 0, 0)),
            pl.BlockSpec((1, 8, P), lambda i: (i, 0, 0)),
        ],
        out_specs=[
            pl.BlockSpec((_B, _PP), lambda i: (0, 0)),
            pl.BlockSpec(memory_space=pltpu.SMEM),
        ],
        out_shape=[
            jax.ShapeDtypeStruct((_B, _PP), jnp.float32),
            jax.ShapeDtypeStruct((4,), jnp.float32),
        ],
        scratch_shapes=[
            pltpu.SMEM((3,), jnp.float32),
        ],
        compiler_params=pltpu.CompilerParams(
            dimension_semantics=("arbitrary",),
        ),
    )(loc_p, conf_p, mt)

    num_pos = scal[2]
    kf = jnp.minimum(3.0 * num_pos, jnp.float32(P) - num_pos)
    kvec = jnp.full((16,), kf, jnp.float32).astype(jnp.int32)

    mesh = plsc.VectorSubcoreMesh(core_axis_name="c", subcore_axis_name="s")
    parts = pl.kernel(
        _mine_body,
        mesh=mesh,
        out_type=jax.ShapeDtypeStruct((_B * 48,), jnp.float32),
        scratch_types=[
            pltpu.VMEM((_PP,), jnp.float32),
            pltpu.VMEM((16,), jnp.int32),
            pltpu.VMEM((16,), jnp.float32),
            pltpu.VMEM((16,), jnp.float32),
            pltpu.VMEM((16,), jnp.float32),
            pltpu.SemaphoreType.DMA,
        ],
    )(jnp.reshape(mine, (_B * _PP,)), kvec)

    parts = jnp.reshape(parts, (_B, 3, 16))
    sv = jnp.sum(parts[:, 0, :], axis=1)
    cv = jnp.sum(parts[:, 1, :], axis=1)
    hi = parts[:, 2, 0]
    s_neg = jnp.sum(sv + (kf - cv) * hi)
    loss_loc = scal[0] / (num_pos * 4.0)
    loss_c = (scal[1] + s_neg) / (num_pos + _B * kf)
    return loss_loc + loss_c

# --- scband reference (transcript-rebuilt; emitter-appended) ---
"""Pipeline reference for scband-ssdlayer-40106404610287 (READ-ONLY COPY).

The authoritative reference and input builder live on the scoring server;
editing this copy changes nothing except your own understanding.
"""

import jax, jax.numpy as jnp
import numpy as np
import math


def _make_priors():
    image_size = 300
    feature_maps = [38, 19, 10, 5, 3, 1]
    steps = [8, 16, 32, 64, 100, 300]
    min_sizes = [30, 60, 111, 162, 213, 264]
    max_sizes = [60, 111, 162, 213, 264, 315]
    aspect_ratios = [[2], [2, 3], [2, 3], [2, 3], [2], [2]]
    mean = []
    for k, f in enumerate(feature_maps):
        for i in range(f):
            for j in range(f):
                f_k = image_size / steps[k]
                cx = (j + 0.5) / f_k
                cy = (i + 0.5) / f_k
                s_k = min_sizes[k] / image_size
                mean += [cx, cy, s_k, s_k]
                s_k_prime = math.sqrt(s_k * (max_sizes[k] / image_size))
                mean += [cx, cy, s_k_prime, s_k_prime]
                for ar in aspect_ratios[k]:
                    mean += [cx, cy, s_k * math.sqrt(ar), s_k / math.sqrt(ar)]
                    mean += [cx, cy, s_k / math.sqrt(ar), s_k * math.sqrt(ar)]
    pr = np.clip(np.asarray(mean, dtype=np.float32).reshape(-1, 4), 0.0, 1.0)
    return jnp.asarray(pr)


def _point_form(priors):
    return jnp.concatenate([priors[:, :2] - priors[:, 2:] / 2.0,
                            priors[:, :2] + priors[:, 2:] / 2.0], axis=1)


def _intersect(a, b):
    max_xy = jnp.minimum(a[:, None, 2:], b[None, :, 2:])
    min_xy = jnp.maximum(a[:, None, :2], b[None, :, :2])
    inter = jnp.clip(max_xy - min_xy, 0.0, None)
    return inter[..., 0] * inter[..., 1]


def _jaccard(a, b):
    inter = _intersect(a, b)
    area_a = ((a[:, 2] - a[:, 0]) * (a[:, 3] - a[:, 1]))[:, None]
    area_b = ((b[:, 2] - b[:, 0]) * (b[:, 3] - b[:, 1]))[None, :]
    return inter / (area_a + area_b - inter)


def _encode(matched, priors, variances=(0.1, 0.2)):
    g_cxcy = (matched[:, :2] + matched[:, 2:]) / 2.0 - priors[:, :2]
    g_cxcy = g_cxcy / (variances[0] * priors[:, 2:])
    g_wh = (matched[:, 2:] - matched[:, :2]) / priors[:, 2:]
    g_wh = jnp.log(g_wh) / variances[1]
    return jnp.concatenate([g_cxcy, g_wh], axis=1)


def _match(gts, labels, priors, threshold):
    overlaps = _jaccard(gts, _point_form(priors))
    best_prior_idx = jnp.argmax(overlaps, axis=1)
    best_truth_overlap = jnp.max(overlaps, axis=0)
    best_truth_idx = jnp.argmax(overlaps, axis=0)
    best_truth_overlap = best_truth_overlap.at[best_prior_idx].set(2.0)
    best_truth_idx = best_truth_idx.at[best_prior_idx].set(jnp.arange(gts.shape[0]))
    matches = gts[best_truth_idx]
    conf = labels[best_truth_idx]
    conf = jnp.where(best_truth_overlap < threshold, 0.0, conf)
    loc = _encode(matches, priors)
    return loc, conf


def setup_inputs(seed: int = 0):
    key = jax.random.key(seed)
    k1, k2, k3, k4 = jax.random.split(key, 4)
    B, n_obj, num_classes = 32, 12, 21
    priors = _make_priors()
    P = priors.shape[0]
    p = jax.random.normal(k1, (B, P, 4 + num_classes), dtype=jnp.float32)
    cxy = jax.random.uniform(k2, (B, n_obj, 2), minval=0.15, maxval=0.85, dtype=jnp.float32)
    wh = jax.random.uniform(k3, (B, n_obj, 2), minval=0.05, maxval=0.30, dtype=jnp.float32)
    labels = jax.random.randint(k4, (B, n_obj, 1), 1, num_classes).astype(jnp.float32)
    targets = jnp.concatenate([labels, cxy - wh / 2.0, cxy + wh / 2.0], axis=-1)
    return {"p": p, "targets": targets, "priors": priors}


def reference(p, targets, priors):
    B = p.shape[0]
    P = priors.shape[0]
    loc_p = p[:, :, :4]
    conf_p = p[:, :, 4:]
    loc_t_list = []
    conf_t_list = []
    for i in range(B):
        locs, labs = _match(targets[i][:, 1:], targets[i][:, 0], priors, 0.5)
        loc_t_list.append(locs)
        conf_t_list.append(labs)
    loc_t = jnp.stack(loc_t_list, axis=0)
    conf_t = jnp.stack(conf_t_list, axis=0)
    pos_idx = conf_t > 0
    num_pos = jnp.sum(pos_idx)
    # SmoothL1 over positive priors, mean reduction (masked equivalent of loc_p[pos_idx])
    diff = loc_p - loc_t
    ad = jnp.abs(diff)
    sl1 = jnp.where(ad < 1.0, 0.5 * diff * diff, ad - 0.5)
    loss_loc = jnp.sum(sl1 * pos_idx[..., None]) / (num_pos.astype(jnp.float32) * 4.0)
    # per-prior CE = logsumexp - logit[target]
    lse = jax.scipy.special.logsumexp(conf_p, axis=-1)
    gathered = jnp.take_along_axis(conf_p, conf_t[..., None].astype(jnp.int32), axis=2)[..., 0]
    ce_all = lse - gathered
    # hard negative mining
    mining = jnp.where(pos_idx, 0.0, ce_all)
    loss_idx = jnp.argsort(-mining, axis=1)
    idx_rank = jnp.argsort(loss_idx, axis=1)
    num_neg = jnp.minimum(3 * num_pos, P - num_pos)
    neg_idx = idx_rank < num_neg
    sel = pos_idx | neg_idx
    loss_c = jnp.sum(ce_all * sel) / jnp.sum(sel).astype(jnp.float32)
    return loss_loc + loss_c

if __name__ == "__main__":
    import jax
    _d = setup_inputs()
    print(jax.jit(kernel)(*tuple(_d.values())))

</pallas_src>

<mosaic_0001>
#map = affine_map<(d0, d1) -> (0)>
module attributes {stable_mosaic.version = 14 : i64} {
  func.func @_mine_body(%arg0: i32, %arg1: i32, %arg2: memref<282624xf32, #tpu.memory_space<hbm>>, %arg3: memref<16xi32, #tpu.memory_space<hbm>>, %arg4: memref<1536xf32, #tpu.memory_space<hbm>>, %arg5: memref<8832xf32, #tpu.memory_space<vmem>>, %arg6: memref<16xi32, #tpu.memory_space<vmem>>, %arg7: memref<16xf32, #tpu.memory_space<vmem>>, %arg8: memref<16xf32, #tpu.memory_space<vmem>>, %arg9: memref<16xf32, #tpu.memory_space<vmem>>, %arg10: memref<!tpu.dma_semaphore, #tpu.memory_space<semaphore_mem>>) attributes {dimension_semantics = [#tpu.dimension_semantics<core_parallel>, #tpu.dimension_semantics<subcore_parallel>], iteration_bounds = array<i64: 2, 16>, scalar_prefetch = 0 : i64, scratch_operands = 6 : i64, tpu.core_type = #tpu.core_type<sc_vector_subcore>, window_params = [{transform_indices = #map}, {transform_indices = #map}, {transform_indices = #map}]} {
    %mul3A = arith.constant 2 : i32
    %mul3A_0 = arith.muli %arg1, %mul3A : i32
    %add3A = arith.addi %mul3A_0, %arg0 : i32
    %mul3A_1 = arith.constant 8832 : i32
    %mul3A_2 = arith.muli %add3A, %mul3A_1 : i32
    "tpu.region"() ({
      %run_scoped3A = tpu.sem_alloc : memref<!tpu.dma_semaphore, #tpu.memory_space<semaphore_mem>>
      %dma_start3A = tpu.memref_slice %arg2[%mul3A_2] : memref<282624xf32, #tpu.memory_space<hbm>> -> memref<8832xf32, #tpu.memory_space<hbm>>
      %dma_start3A_43 = tpu.memref_slice %arg2[%mul3A_2] : memref<282624xf32, #tpu.memory_space<hbm>> -> memref<8832xf32, #tpu.memory_space<hbm>>
      tpu.enqueue_dma source(%dma_start3A_43 : memref<8832xf32, #tpu.memory_space<hbm>>) target(%arg5 : memref<8832xf32, #tpu.memory_space<vmem>>) target_semaphore(%run_scoped3A : memref<!tpu.dma_semaphore, #tpu.memory_space<semaphore_mem>>)
      %dma_wait3A = tpu.memref_slice %arg2[%mul3A_2] : memref<282624xf32, #tpu.memory_space<hbm>> -> memref<8832xf32, #tpu.memory_space<hbm>>
      %dma_wait3A_44 = tpu.memref_slice %arg2[%mul3A_2] : memref<282624xf32, #tpu.memory_space<hbm>> -> memref<8832xf32, #tpu.memory_space<hbm>>
      tpu.wait_dma2 semaphore(%run_scoped3A : memref<!tpu.dma_semaphore, #tpu.memory_space<semaphore_mem>>) src(%dma_wait3A_44 : memref<8832xf32, #tpu.memory_space<hbm>>) dst(%arg5 : memref<8832xf32, #tpu.memory_space<vmem>>)
      tpu.yield
    }) : () -> ()
    "tpu.region"() ({
      %run_scoped3A = tpu.sem_alloc : memref<!tpu.dma_semaphore, #tpu.memory_space<semaphore_mem>>
      tpu.enqueue_dma source(%arg3 : memref<16xi32, #tpu.memory_space<hbm>>) target(%arg6 : memref<16xi32, #tpu.memory_space<vmem>>) target_semaphore(%run_scoped3A : memref<!tpu.dma_semaphore, #tpu.memory_space<semaphore_mem>>)
      tpu.wait_dma2 semaphore(%run_scoped3A : memref<!tpu.dma_semaphore, #tpu.memory_space<semaphore_mem>>) src(%arg3 : memref<16xi32, #tpu.memory_space<hbm>>) dst(%arg6 : memref<16xi32, #tpu.memory_space<vmem>>)
      tpu.yield
    }) : () -> ()
    %get3A = arith.constant 0 : index
    %get3A_3 = tpu.vector_load %arg6[%get3A] {strides = array<i32>} : memref<16xi32, #tpu.memory_space<vmem>>, vector<16xi32>,
    %get3A_4 = vector.shape_cast %get3A_3 : vector<16xi32> to vector<16xi32>
    %slice3A = vector.extract_strided_slice %get3A_4 {offsets = [0], sizes = [1], strides = [1]} : vector<16xi32> to vector<1xi32>
    %squeeze3A = vector.extract %slice3A[0] : i32 from vector<1xi32>
    %scan3A = arith.constant 0.000000e+00 : f32
    %scan3A_5 = arith.constant 6.400000e+01 : f32
    %scan3A_6 = arith.constant 0 : i32
    %scan3A_7 = arith.constant 34 : i32
    %scan3A_8 = arith.addi %scan3A_6, %scan3A_7 : i32
    %scan3A_9 = arith.constant 1 : i32
    %scan3A_10:2 = scf.for %scan3A_43 = %scan3A_6 to %scan3A_8 step %scan3A_9 iter_args(%scan3A_44 = %scan3A, %scan3A_45 = %scan3A_5) -> (f32, f32)  : i32 {
      %add3A_46 = arith.addf %scan3A_44, %scan3A_45 : f32
      %mul3A_47 = arith.constant 5.000000e-01 : f32
      %mul3A_48 = arith.mulf %mul3A_47, %add3A_46 : f32
      %broadcast_in_dim3A_49 = vector.broadcast %mul3A_48 : f32 to vector<16xf32>
      %broadcast_in_dim3A_50 = arith.constant 0 : i32
      %broadcast_in_dim3A_51 = vector.broadcast %broadcast_in_dim3A_50 : i32 to vector<16xi32>
      %scan3A_52 = arith.constant 0 : i32
      %scan3A_53 = arith.constant 552 : i32
      %scan3A_54 = arith.addi %scan3A_52, %scan3A_53 : i32
      %scan3A_55 = arith.constant 8 : i32
      %scan3A_56 = scf.for %scan3A_106 = %scan3A_52 to %scan3A_54 step %scan3A_55 iter_args(%scan3A_107 = %broadcast_in_dim3A_51) -> (vector<16xi32>)  : i32 {
        %mul3A_108 = arith.constant 16 : i32
        %mul3A_109 = arith.muli %scan3A_106, %mul3A_108 : i32
        %get3A_110 = arith.index_cast %mul3A_109 : i32 to index
        %get3A_111 = tpu.vector_load %arg5[%get3A_110] {strides = array<i32>} : memref<8832xf32, #tpu.memory_space<vmem>>, vector<16xf32>,
        %get3A_112 = vector.shape_cast %get3A_111 : vector<16xf32> to vector<16xf32>
        %gt3A_113 = arith.cmpf ogt, %get3A_112, %broadcast_in_dim3A_49 : vector<16xf32>
        %jit3A = arith.constant 1 : i32
        %jit3A_114 = arith.constant 0 : i32
        %broadcast_in_dim3A_115 = vector.broadcast %jit3A : i32 to vector<16xi32>
        %broadcast_in_dim3A_116 = vector.broadcast %jit3A_114 : i32 to vector<16xi32>
        %select_n3A_117 = arith.select %gt3A_113, %broadcast_in_dim3A_115, %broadcast_in_dim3A_116 : vector<16xi1>, vector<16xi32>
        %add3A_118 = arith.addi %scan3A_107, %select_n3A_117 : vector<16xi32>
        %scan3A_119 = arith.constant 1 : i32
        %scan3A_120 = arith.addi %scan3A_106, %scan3A_119 : i32
        %mul3A_121 = arith.constant 16 : i32
        %mul3A_122 = arith.muli %scan3A_120, %mul3A_121 : i32
        %get3A_123 = arith.index_cast %mul3A_122 : i32 to index
        %get3A_124 = tpu.vector_load %arg5[%get3A_123] {strides = array<i32>} : memref<8832xf32, #tpu.memory_space<vmem>>, vector<16xf32>,
        %get3A_125 = vector.shape_cast %get3A_124 : vector<16xf32> to vector<16xf32>
        %gt3A_126 = arith.cmpf ogt, %get3A_125, %broadcast_in_dim3A_49 : vector<16xf32>
        %jit3A_127 = arith.constant 1 : i32
        %jit3A_128 = arith.constant 0 : i32
        %broadcast_in_dim3A_129 = vector.broadcast %jit3A_127 : i32 to vector<16xi32>
        %broadcast_in_dim3A_130 = vector.broadcast %jit3A_128 : i32 to vector<16xi32>
        %select_n3A_131 = arith.select %gt3A_126, %broadcast_in_dim3A_129, %broadcast_in_dim3A_130 : vector<16xi1>, vector<16xi32>
        %add3A_132 = arith.addi %add3A_118, %select_n3A_131 : vector<16xi32>
        %scan3A_133 = arith.constant 2 : i32
        %scan3A_134 = arith.addi %scan3A_106, %scan3A_133 : i32
        %mul3A_135 = arith.constant 16 : i32
        %mul3A_136 = arith.muli %scan3A_134, %mul3A_135 : i32
        %get3A_137 = arith.index_cast %mul3A_136 : i32 to index
        %get3A_138 = tpu.vector_load %arg5[%get3A_137] {strides = array<i32>} : memref<8832xf32, #tpu.memory_space<vmem>>, vector<16xf32>,
        %get3A_139 = vector.shape_cast %get3A_138 : vector<16xf32> to vector<16xf32>
        %gt3A_140 = arith.cmpf ogt, %get3A_139, %broadcast_in_dim3A_49 : vector<16xf32>
        %jit3A_141 = arith.constant 1 : i32
        %jit3A_142 = arith.constant 0 : i32
        %broadcast_in_dim3A_143 = vector.broadcast %jit3A_141 : i32 to vector<16xi32>
        %broadcast_in_dim3A_144 = vector.broadcast %jit3A_142 : i32 to vector<16xi32>
        %select_n3A_145 = arith.select %gt3A_140, %broadcast_in_dim3A_143, %broadcast_in_dim3A_144 : vector<16xi1>, vector<16xi32>
        %add3A_146 = arith.addi %add3A_132, %select_n3A_145 : vector<16xi32>
        %scan3A_147 = arith.constant 3 : i32
        %scan3A_148 = arith.addi %scan3A_106, %scan3A_147 : i32
        %mul3A_149 = arith.constant 16 : i32
        %mul3A_150 = arith.muli %scan3A_148, %mul3A_149 : i32
        %get3A_151 = arith.index_cast %mul3A_150 : i32 to index
        %get3A_152 = tpu.vector_load %arg5[%get3A_151] {strides = array<i32>} : memref<8832xf32, #tpu.memory_space<vmem>>, vector<16xf32>,
        %get3A_153 = vector.shape_cast %get3A_152 : vector<16xf32> to vector<16xf32>
        %gt3A_154 = arith.cmpf ogt, %get3A_153, %broadcast_in_dim3A_49 : vector<16xf32>
        %jit3A_155 = arith.constant 1 : i32
        %jit3A_156 = arith.constant 0 : i32
        %broadcast_in_dim3A_157 = vector.broadcast %jit3A_155 : i32 to vector<16xi32>
        %broadcast_in_dim3A_158 = vector.broadcast %jit3A_156 : i32 to vector<16xi32>
        %select_n3A_159 = arith.select %gt3A_154, %broadcast_in_dim3A_157, %broadcast_in_dim3A_158 : vector<16xi1>, vector<16xi32>
        %add3A_160 = arith.addi %add3A_146, %select_n3A_159 : vector<16xi32>
        %scan3A_161 = arith.constant 4 : i32
        %scan3A_162 = arith.addi %scan3A_106, %scan3A_161 : i32
        %mul3A_163 = arith.constant 16 : i32
        %mul3A_164 = arith.muli %scan3A_162, %mul3A_163 : i32
        %get3A_165 = arith.index_cast %mul3A_164 : i32 to index
        %get3A_166 = tpu.vector_load %arg5[%get3A_165] {strides = array<i32>} : memref<8832xf32, #tpu.memory_space<vmem>>, vector<16xf32>,
        %get3A_167 = vector.shape_cast %get3A_166 : vector<16xf32> to vector<16xf32>
        %gt3A_168 = arith.cmpf ogt, %get3A_167, %broadcast_in_dim3A_49 : vector<16xf32>
        %jit3A_169 = arith.constant 1 : i32
        %jit3A_170 = arith.constant 0 : i32
        %broadcast_in_dim3A_171 = vector.broadcast %jit3A_169 : i32 to vector<16xi32>
        %broadcast_in_dim3A_172 = vector.broadcast %jit3A_170 : i32 to vector<16xi32>
        %select_n3A_173 = arith.select %gt3A_168, %broadcast_in_dim3A_171, %broadcast_in_dim3A_172 : vector<16xi1>, vector<16xi32>
        %add3A_174 = arith.addi %add3A_160, %select_n3A_173 : vector<16xi32>
        %scan3A_175 = arith.constant 5 : i32
        %scan3A_176 = arith.addi %scan3A_106, %scan3A_175 : i32
        %mul3A_177 = arith.constant 16 : i32
        %mul3A_178 = arith.muli %scan3A_176, %mul3A_177 : i32
        %get3A_179 = arith.index_cast %mul3A_178 : i32 to index
        %get3A_180 = tpu.vector_load %arg5[%get3A_179] {strides = array<i32>} : memref<8832xf32, #tpu.memory_space<vmem>>, vector<16xf32>,
        %get3A_181 = vector.shape_cast %get3A_180 : vector<16xf32> to vector<16xf32>
        %gt3A_182 = arith.cmpf ogt, %get3A_181, %broadcast_in_dim3A_49 : vector<16xf32>
        %jit3A_183 = arith.constant 1 : i32
        %jit3A_184 = arith.constant 0 : i32
        %broadcast_in_dim3A_185 = vector.broadcast %jit3A_183 : i32 to vector<16xi32>
        %broadcast_in_dim3A_186 = vector.broadcast %jit3A_184 : i32 to vector<16xi32>
        %select_n3A_187 = arith.select %gt3A_182, %broadcast_in_dim3A_185, %broadcast_in_dim3A_186 : vector<16xi1>, vector<16xi32>
        %add3A_188 = arith.addi %add3A_174, %select_n3A_187 : vector<16xi32>
        %scan3A_189 = arith.constant 6 : i32
        %scan3A_190 = arith.addi %scan3A_106, %scan3A_189 : i32
        %mul3A_191 = arith.constant 16 : i32
        %mul3A_192 = arith.muli %scan3A_190, %mul3A_191 : i32
        %get3A_193 = arith.index_cast %mul3A_192 : i32 to index
        %get3A_194 = tpu.vector_load %arg5[%get3A_193] {strides = array<i32>} : memref<8832xf32, #tpu.memory_space<vmem>>, vector<16xf32>,
        %get3A_195 = vector.shape_cast %get3A_194 : vector<16xf32> to vector<16xf32>
        %gt3A_196 = arith.cmpf ogt, %get3A_195, %broadcast_in_dim3A_49 : vector<16xf32>
        %jit3A_197 = arith.constant 1 : i32
        %jit3A_198 = arith.constant 0 : i32
        %broadcast_in_dim3A_199 = vector.broadcast %jit3A_197 : i32 to vector<16xi32>
        %broadcast_in_dim3A_200 = vector.broadcast %jit3A_198 : i32 to vector<16xi32>
        %select_n3A_201 = arith.select %gt3A_196, %broadcast_in_dim3A_199, %broadcast_in_dim3A_200 : vector<16xi1>, vector<16xi32>
        %add3A_202 = arith.addi %add3A_188, %select_n3A_201 : vector<16xi32>
        %scan3A_203 = arith.constant 7 : i32
        %scan3A_204 = arith.addi %scan3A_106, %scan3A_203 : i32
        %mul3A_205 = arith.constant 16 : i32
        %mul3A_206 = arith.muli %scan3A_204, %mul3A_205 : i32
        %get3A_207 = arith.index_cast %mul3A_206 : i32 to index
        %get3A_208 = tpu.vector_load %arg5[%get3A_207] {strides = array<i32>} : memref<8832xf32, #tpu.memory_space<vmem>>, vector<16xf32>,
        %get3A_209 = vector.shape_cast %get3A_208 : vector<16xf32> to vector<16xf32>
        %gt3A_210 = arith.cmpf ogt, %get3A_209, %broadcast_in_dim3A_49 : vector<16xf32>
        %jit3A_211 = arith.constant 1 : i32
        %jit3A_212 = arith.constant 0 : i32
        %broadcast_in_dim3A_213 = vector.broadcast %jit3A_211 : i32 to vector<16xi32>
        %broadcast_in_dim3A_214 = vector.broadcast %jit3A_212 : i32 to vector<16xi32>
        %select_n3A_215 = arith.select %gt3A_210, %broadcast_in_dim3A_213, %broadcast_in_dim3A_214 : vector<16xi1>, vector<16xi32>
        %add3A_216 = arith.addi %add3A_202, %select_n3A_215 : vector<16xi32>
        scf.yield %add3A_216 : vector<16xi32>
      }
      %scan3A_57 = arith.constant 552 : i32
      %slice3A_58 = vector.extract_strided_slice %scan3A_56 {offsets = [0], sizes = [1], strides = [1]} : vector<16xi32> to vector<1xi32>
      %squeeze3A_59 = vector.extract %slice3A_58[0] : i32 from vector<1xi32>
      %slice3A_60 = vector.extract_strided_slice %scan3A_56 {offsets = [1], sizes = [1], strides = [1]} : vector<16xi32> to vector<1xi32>
      %squeeze3A_61 = vector.extract %slice3A_60[0] : i32 from vector<1xi32>
      %add3A_62 = arith.addi %squeeze3A_59, %squeeze3A_61 : i32
      %slice3A_63 = vector.extract_strided_slice %scan3A_56 {offsets = [2], sizes = [1], strides = [1]} : vector<16xi32> to vector<1xi32>
      %squeeze3A_64 = vector.extract %slice3A_63[0] : i32 from vector<1xi32>
      %add3A_65 = arith.addi %add3A_62, %squeeze3A_64 : i32
      %slice3A_66 = vector.extract_strided_slice %scan3A_56 {offsets = [3], sizes = [1], strides = [1]} : vector<16xi32> to vector<1xi32>
      %squeeze3A_67 = vector.extract %slice3A_66[0] : i32 from vector<1xi32>
      %add3A_68 = arith.addi %add3A_65, %squeeze3A_67 : i32
      %slice3A_69 = vector.extract_strided_slice %scan3A_56 {offsets = [4], sizes = [1], strides = [1]} : vector<16xi32> to vector<1xi32>
      %squeeze3A_70 = vector.extract %slice3A_69[0] : i32 from vector<1xi32>
      %add3A_71 = arith.addi %add3A_68, %squeeze3A_70 : i32
      %slice3A_72 = vector.extract_strided_slice %scan3A_56 {offsets = [5], sizes = [1], strides = [1]} : vector<16xi32> to vector<1xi32>
      %squeeze3A_73 = vector.extract %slice3A_72[0] : i32 from vector<1xi32>
      %add3A_74 = arith.addi %add3A_71, %squeeze3A_73 : i32
      %slice3A_75 = vector.extract_strided_slice %scan3A_56 {offsets = [6], sizes = [1], strides = [1]} : vector<16xi32> to vector<1xi32>
      %squeeze3A_76 = vector.extract %slice3A_75[0] : i32 from vector<1xi32>
      %add3A_77 = arith.addi %add3A_74, %squeeze3A_76 : i32
      %slice3A_78 = vector.extract_strided_slice %scan3A_56 {offsets = [7], sizes = [1], strides = [1]} : vector<16xi32> to vector<1xi32>
      %squeeze3A_79 = vector.extract %slice3A_78[0] : i32 from vector<1xi32>
      %add3A_80 = arith.addi %add3A_77, %squeeze3A_79 : i32
      %slice3A_81 = vector.extract_strided_slice %scan3A_56 {offsets = [8], sizes = [1], strides = [1]} : vector<16xi32> to vector<1xi32>
      %squeeze3A_82 = vector.extract %slice3A_81[0] : i32 from vector<1xi32>
      %add3A_83 = arith.addi %add3A_80, %squeeze3A_82 : i32
      %slice3A_84 = vector.extract_strided_slice %scan3A_56 {offsets = [9], sizes = [1], strides = [1]} : vector<16xi32> to vector<1xi32>
      %squeeze3A_85 = vector.extract %slice3A_84[0] : i32 from vector<1xi32>
      %add3A_86 = arith.addi %add3A_83, %squeeze3A_85 : i32
      %slice3A_87 = vector.extract_strided_slice %scan3A_56 {offsets = [10], sizes = [1], strides = [1]} : vector<16xi32> to vector<1xi32>
      %squeeze3A_88 = vector.extract %slice3A_87[0] : i32 from vector<1xi32>
      %add3A_89 = arith.addi %add3A_86, %squeeze3A_88 : i32
      %slice3A_90 = vector.extract_strided_slice %scan3A_56 {offsets = [11], sizes = [1], strides = [1]} : vector<16xi32> to vector<1xi32>
      %squeeze3A_91 = vector.extract %slice3A_90[0] : i32 from vector<1xi32>
      %add3A_92 = arith.addi %add3A_89, %squeeze3A_91 : i32
      %slice3A_93 = vector.extract_strided_slice %scan3A_56 {offsets = [12], sizes = [1], strides = [1]} : vector<16xi32> to vector<1xi32>
      %squeeze3A_94 = vector.extract %slice3A_93[0] : i32 from vector<1xi32>
      %add3A_95 = arith.addi %add3A_92, %squeeze3A_94 : i32
      %slice3A_96 = vector.extract_strided_slice %scan3A_56 {offsets = [13], sizes = [1], strides = [1]} : vector<16xi32> to vector<1xi32>
      %squeeze3A_97 = vector.extract %slice3A_96[0] : i32 from vector<1xi32>
      %add3A_98 = arith.addi %add3A_95, %squeeze3A_97 : i32
      %slice3A_99 = vector.extract_strided_slice %scan3A_56 {offsets = [14], sizes = [1], strides = [1]} : vector<16xi32> to vector<1xi32>
      %squeeze3A_100 = vector.extract %slice3A_99[0] : i32 from vector<1xi32>
      %add3A_101 = arith.addi %add3A_98, %squeeze3A_100 : i32
      %slice3A_102 = vector.extract_strided_slice %scan3A_56 {offsets = [15], sizes = [1], strides = [1]} : vector<16xi32> to vector<1xi32>
      %squeeze3A_103 = vector.extract %slice3A_102[0] : i32 from vector<1xi32>
      %add3A_104 = arith.addi %add3A_101, %squeeze3A_103 : i32
      %gt3A = arith.cmpi sgt, %add3A_104, %squeeze3A : i32
      %select_n3A = arith.select %gt3A, %mul3A_48, %scan3A_44 : f32
      %select_n3A_105 = arith.select %gt3A, %scan3A_45, %mul3A_48 : f32
      scf.yield %select_n3A, %select_n3A_105 : f32, f32
    }
    %scan3A_11 = arith.constant 34 : i32
    %broadcast_in_dim3A = vector.broadcast %scan3A_10#1 : f32 to vector<16xf32>
    %broadcast_in_dim3A_12 = arith.constant 0.000000e+00 : f32
    %broadcast_in_dim3A_13 = vector.broadcast %broadcast_in_dim3A_12 : f32 to vector<16xf32>
    %broadcast_in_dim3A_14 = arith.constant 0.000000e+00 : f32
    %broadcast_in_dim3A_15 = vector.broadcast %broadcast_in_dim3A_14 : f32 to vector<16xf32>
    %scan3A_16 = arith.constant 0 : i32
    %scan3A_17 = arith.constant 552 : i32
    %scan3A_18 = arith.addi %scan3A_16, %scan3A_17 : i32
    %scan3A_19 = arith.constant 8 : i32
    %scan3A_20:2 = scf.for %scan3A_43 = %scan3A_16 to %scan3A_18 step %scan3A_19 iter_args(%scan3A_44 = %broadcast_in_dim3A_13, %scan3A_45 = %broadcast_in_dim3A_15) -> (vector<16xf32>, vector<16xf32>)  : i32 {
      %mul3A_46 = arith.constant 16 : i32
      %mul3A_47 = arith.muli %scan3A_43, %mul3A_46 : i32
      %get3A_48 = arith.index_cast %mul3A_47 : i32 to index
      %get3A_49 = tpu.vector_load %arg5[%get3A_48] {strides = array<i32>} : memref<8832xf32, #tpu.memory_space<vmem>>, vector<16xf32>,
      %get3A_50 = vector.shape_cast %get3A_49 : vector<16xf32> to vector<16xf32>
      %gt3A = arith.cmpf ogt, %get3A_50, %broadcast_in_dim3A : vector<16xf32>
      %jit3A = arith.constant 0.000000e+00 : f32
      %broadcast_in_dim3A_51 = vector.broadcast %jit3A : f32 to vector<16xf32>
      %select_n3A = arith.select %gt3A, %get3A_50, %broadcast_in_dim3A_51 : vector<16xi1>, vector<16xf32>
      %add3A_52 = arith.addf %scan3A_44, %select_n3A : vector<16xf32>
      %jit3A_53 = arith.constant 1.000000e+00 : f32
      %jit3A_54 = arith.constant 0.000000e+00 : f32
      %broadcast_in_dim3A_55 = vector.broadcast %jit3A_53 : f32 to vector<16xf32>
      %broadcast_in_dim3A_56 = vector.broadcast %jit3A_54 : f32 to vector<16xf32>
      %select_n3A_57 = arith.select %gt3A, %broadcast_in_dim3A_55, %broadcast_in_dim3A_56 : vector<16xi1>, vector<16xf32>
      %add3A_58 = arith.addf %scan3A_45, %select_n3A_57 : vector<16xf32>
      %scan3A_59 = arith.constant 1 : i32
      %scan3A_60 = arith.addi %scan3A_43, %scan3A_59 : i32
      %mul3A_61 = arith.constant 16 : i32
      %mul3A_62 = arith.muli %scan3A_60, %mul3A_61 : i32
      %get3A_63 = arith.index_cast %mul3A_62 : i32 to index
      %get3A_64 = tpu.vector_load %arg5[%get3A_63] {strides = array<i32>} : memref<8832xf32, #tpu.memory_space<vmem>>, vector<16xf32>,
      %get3A_65 = vector.shape_cast %get3A_64 : vector<16xf32> to vector<16xf32>
      %gt3A_66 = arith.cmpf ogt, %get3A_65, %broadcast_in_dim3A : vector<16xf32>
      %jit3A_67 = arith.constant 0.000000e+00 : f32
      %broadcast_in_dim3A_68 = vector.broadcast %jit3A_67 : f32 to vector<16xf32>
      %select_n3A_69 = arith.select %gt3A_66, %get3A_65, %broadcast_in_dim3A_68 : vector<16xi1>, vector<16xf32>
      %add3A_70 = arith.addf %add3A_52, %select_n3A_69 : vector<16xf32>
      %jit3A_71 = arith.constant 1.000000e+00 : f32
      %jit3A_72 = arith.constant 0.000000e+00 : f32
      %broadcast_in_dim3A_73 = vector.broadcast %jit3A_71 : f32 to vector<16xf32>
      %broadcast_in_dim3A_74 = vector.broadcast %jit3A_72 : f32 to vector<16xf32>
      %select_n3A_75 = arith.select %gt3A_66, %broadcast_in_dim3A_73, %broadcast_in_dim3A_74 : vector<16xi1>, vector<16xf32>
      %add3A_76 = arith.addf %add3A_58, %select_n3A_75 : vector<16xf32>
      %scan3A_77 = arith.constant 2 : i32
      %scan3A_78 = arith.addi %scan3A_43, %scan3A_77 : i32
      %mul3A_79 = arith.constant 16 : i32
      %mul3A_80 = arith.muli %scan3A_78, %mul3A_79 : i32
      %get3A_81 = arith.index_cast %mul3A_80 : i32 to index
      %get3A_82 = tpu.vector_load %arg5[%get3A_81] {strides = array<i32>} : memref<8832xf32, #tpu.memory_space<vmem>>, vector<16xf32>,
      %get3A_83 = vector.shape_cast %get3A_82 : vector<16xf32> to vector<16xf32>
      %gt3A_84 = arith.cmpf ogt, %get3A_83, %broadcast_in_dim3A : vector<16xf32>
      %jit3A_85 = arith.constant 0.000000e+00 : f32
      %broadcast_in_dim3A_86 = vector.broadcast %jit3A_85 : f32 to vector<16xf32>
      %select_n3A_87 = arith.select %gt3A_84, %get3A_83, %broadcast_in_dim3A_86 : vector<16xi1>, vector<16xf32>
      %add3A_88 = arith.addf %add3A_70, %select_n3A_87 : vector<16xf32>
      %jit3A_89 = arith.constant 1.000000e+00 : f32
      %jit3A_90 = arith.constant 0.000000e+00 : f32
      %broadcast_in_dim3A_91 = vector.broadcast %jit3A_89 : f32 to vector<16xf32>
      %broadcast_in_dim3A_92 = vector.broadcast %jit3A_90 : f32 to vector<16xf32>
      %select_n3A_93 = arith.select %gt3A_84, %broadcast_in_dim3A_91, %broadcast_in_dim3A_92 : vector<16xi1>, vector<16xf32>
      %add3A_94 = arith.addf %add3A_76, %select_n3A_93 : vector<16xf32>
      %scan3A_95 = arith.constant 3 : i32
      %scan3A_96 = arith.addi %scan3A_43, %scan3A_95 : i32
      %mul3A_97 = arith.constant 16 : i32
      %mul3A_98 = arith.muli %scan3A_96, %mul3A_97 : i32
      %get3A_99 = arith.index_cast %mul3A_98 : i32 to index
      %get3A_100 = tpu.vector_load %arg5[%get3A_99] {strides = array<i32>} : memref<8832xf32, #tpu.memory_space<vmem>>, vector<16xf32>,
      %get3A_101 = vector.shape_cast %get3A_100 : vector<16xf32> to vector<16xf32>
      %gt3A_102 = arith.cmpf ogt, %get3A_101, %broadcast_in_dim3A : vector<16xf32>
      %jit3A_103 = arith.constant 0.000000e+00 : f32
      %broadcast_in_dim3A_104 = vector.broadcast %jit3A_103 : f32 to vector<16xf32>
      %select_n3A_105 = arith.select %gt3A_102, %get3A_101, %broadcast_in_dim3A_104 : vector<16xi1>, vector<16xf32>
      %add3A_106 = arith.addf %add3A_88, %select_n3A_105 : vector<16xf32>
      %jit3A_107 = arith.constant 1.000000e+00 : f32
      %jit3A_108 = arith.constant 0.000000e+00 : f32
      %broadcast_in_dim3A_109 = vector.broadcast %jit3A_107 : f32 to vector<16xf32>
      %broadcast_in_dim3A_110 = vector.broadcast %jit3A_108 : f32 to vector<16xf32>
      %select_n3A_111 = arith.select %gt3A_102, %broadcast_in_dim3A_109, %broadcast_in_dim3A_110 : vector<16xi1>, vector<16xf32>
      %add3A_112 = arith.addf %add3A_94, %select_n3A_111 : vector<16xf32>
      %scan3A_113 = arith.constant 4 : i32
      %scan3A_114 = arith.addi %scan3A_43, %scan3A_113 : i32
      %mul3A_115 = arith.constant 16 : i32
      %mul3A_116 = arith.muli %scan3A_114, %mul3A_115 : i32
      %get3A_117 = arith.index_cast %mul3A_116 : i32 to index
      %get3A_118 = tpu.vector_load %arg5[%get3A_117] {strides = array<i32>} : memref<8832xf32, #tpu.memory_space<vmem>>, vector<16xf32>,
      %get3A_119 = vector.shape_cast %get3A_118 : vector<16xf32> to vector<16xf32>
      %gt3A_120 = arith.cmpf ogt, %get3A_119, %broadcast_in_dim3A : vector<16xf32>
      %jit3A_121 = arith.constant 0.000000e+00 : f32
      %broadcast_in_dim3A_122 = vector.broadcast %jit3A_121 : f32 to vector<16xf32>
      %select_n3A_123 = arith.select %gt3A_120, %get3A_119, %broadcast_in_dim3A_122 : vector<16xi1>, vector<16xf32>
      %add3A_124 = arith.addf %add3A_106, %select_n3A_123 : vector<16xf32>
      %jit3A_125 = arith.constant 1.000000e+00 : f32
      %jit3A_126 = arith.constant 0.000000e+00 : f32
      %broadcast_in_dim3A_127 = vector.broadcast %jit3A_125 : f32 to vector<16xf32>
      %broadcast_in_dim3A_128 = vector.broadcast %jit3A_126 : f32 to vector<16xf32>
      %select_n3A_129 = arith.select %gt3A_120, %broadcast_in_dim3A_127, %broadcast_in_dim3A_128 : vector<16xi1>, vector<16xf32>
      %add3A_130 = arith.addf %add3A_112, %select_n3A_129 : vector<16xf32>
      %scan3A_131 = arith.constant 5 : i32
      %scan3A_132 = arith.addi %scan3A_43, %scan3A_131 : i32
      %mul3A_133 = arith.constant 16 : i32
      %mul3A_134 = arith.muli %scan3A_132, %mul3A_133 : i32
      %get3A_135 = arith.index_cast %mul3A_134 : i32 to index
      %get3A_136 = tpu.vector_load %arg5[%get3A_135] {strides = array<i32>} : memref<8832xf32, #tpu.memory_space<vmem>>, vector<16xf32>,
      %get3A_137 = vector.shape_cast %get3A_136 : vector<16xf32> to vector<16xf32>
      %gt3A_138 = arith.cmpf ogt, %get3A_137, %broadcast_in_dim3A : vector<16xf32>
      %jit3A_139 = arith.constant 0.000000e+00 : f32
      %broadcast_in_dim3A_140 = vector.broadcast %jit3A_139 : f32 to vector<16xf32>
      %select_n3A_141 = arith.select %gt3A_138, %get3A_137, %broadcast_in_dim3A_140 : vector<16xi1>, vector<16xf32>
      %add3A_142 = arith.addf %add3A_124, %select_n3A_141 : vector<16xf32>
      %jit3A_143 = arith.constant 1.000000e+00 : f32
      %jit3A_144 = arith.constant 0.000000e+00 : f32
      %broadcast_in_dim3A_145 = vector.broadcast %jit3A_143 : f32 to vector<16xf32>
      %broadcast_in_dim3A_146 = vector.broadcast %jit3A_144 : f32 to vector<16xf32>
      %select_n3A_147 = arith.select %gt3A_138, %broadcast_in_dim3A_145, %broadcast_in_dim3A_146 : vector<16xi1>, vector<16xf32>
      %add3A_148 = arith.addf %add3A_130, %select_n3A_147 : vector<16xf32>
      %scan3A_149 = arith.constant 6 : i32
      %scan3A_150 = arith.addi %scan3A_43, %scan3A_149 : i32
      %mul3A_151 = arith.constant 16 : i32
      %mul3A_152 = arith.muli %scan3A_150, %mul3A_151 : i32
      %get3A_153 = arith.index_cast %mul3A_152 : i32 to index
      %get3A_154 = tpu.vector_load %arg5[%get3A_153] {strides = array<i32>} : memref<8832xf32, #tpu.memory_space<vmem>>, vector<16xf32>,
      %get3A_155 = vector.shape_cast %get3A_154 : vector<16xf32> to vector<16xf32>
      %gt3A_156 = arith.cmpf ogt, %get3A_155, %broadcast_in_dim3A : vector<16xf32>
      %jit3A_157 = arith.constant 0.000000e+00 : f32
      %broadcast_in_dim3A_158 = vector.broadcast %jit3A_157 : f32 to vector<16xf32>
      %select_n3A_159 = arith.select %gt3A_156, %get3A_155, %broadcast_in_dim3A_158 : vector<16xi1>, vector<16xf32>
      %add3A_160 = arith.addf %add3A_142, %select_n3A_159 : vector<16xf32>
      %jit3A_161 = arith.constant 1.000000e+00 : f32
      %jit3A_162 = arith.constant 0.000000e+00 : f32
      %broadcast_in_dim3A_163 = vector.broadcast %jit3A_161 : f32 to vector<16xf32>
      %broadcast_in_dim3A_164 = vector.broadcast %jit3A_162 : f32 to vector<16xf32>
      %select_n3A_165 = arith.select %gt3A_156, %broadcast_in_dim3A_163, %broadcast_in_dim3A_164 : vector<16xi1>, vector<16xf32>
      %add3A_166 = arith.addf %add3A_148, %select_n3A_165 : vector<16xf32>
      %scan3A_167 = arith.constant 7 : i32
      %scan3A_168 = arith.addi %scan3A_43, %scan3A_167 : i32
      %mul3A_169 = arith.constant 16 : i32
      %mul3A_170 = arith.muli %scan3A_168, %mul3A_169 : i32
      %get3A_171 = arith.index_cast %mul3A_170 : i32 to index
      %get3A_172 = tpu.vector_load %arg5[%get3A_171] {strides = array<i32>} : memref<8832xf32, #tpu.memory_space<vmem>>, vector<16xf32>,
      %get3A_173 = vector.shape_cast %get3A_172 : vector<16xf32> to vector<16xf32>
      %gt3A_174 = arith.cmpf ogt, %get3A_173, %broadcast_in_dim3A : vector<16xf32>
      %jit3A_175 = arith.constant 0.000000e+00 : f32
      %broadcast_in_dim3A_176 = vector.broadcast %jit3A_175 : f32 to vector<16xf32>
      %select_n3A_177 = arith.select %gt3A_174, %get3A_173, %broadcast_in_dim3A_176 : vector<16xi1>, vector<16xf32>
      %add3A_178 = arith.addf %add3A_160, %select_n3A_177 : vector<16xf32>
      %jit3A_179 = arith.constant 1.000000e+00 : f32
      %jit3A_180 = arith.constant 0.000000e+00 : f32
      %broadcast_in_dim3A_181 = vector.broadcast %jit3A_179 : f32 to vector<16xf32>
      %broadcast_in_dim3A_182 = vector.broadcast %jit3A_180 : f32 to vector<16xf32>
      %select_n3A_183 = arith.select %gt3A_174, %broadcast_in_dim3A_181, %broadcast_in_dim3A_182 : vector<16xi1>, vector<16xf32>
      %add3A_184 = arith.addf %add3A_166, %select_n3A_183 : vector<16xf32>
      scf.yield %add3A_178, %add3A_184 : vector<16xf32>, vector<16xf32>
    }
    %scan3A_21 = arith.constant 552 : i32
    %swap3A = arith.constant 0 : index
    %swap3A_22 = tpu.vector_load %arg7[%swap3A] {strides = array<i32>} : memref<16xf32, #tpu.memory_space<vmem>>, vector<16xf32>,
    %swap3A_23 = vector.shape_cast %swap3A_22 : vector<16xf32> to vector<16xf32>
    %swap3A_24 = vector.shape_cast %scan3A_20#0 : vector<16xf32> to vector<16xf32>
    tpu.vector_store %arg7[%swap3A], %swap3A_24 {strides = array<i32>} : memref<16xf32, #tpu.memory_space<vmem>>, vector<16xf32>,
    %swap3A_25 = arith.constant 0 : index
    %swap3A_26 = tpu.vector_load %arg8[%swap3A_25] {strides = array<i32>} : memref<16xf32, #tpu.memory_space<vmem>>, vector<16xf32>,
    %swap3A_27 = vector.shape_cast %swap3A_26 : vector<16xf32> to vector<16xf32>
    %swap3A_28 = vector.shape_cast %scan3A_20#1 : vector<16xf32> to vector<16xf32>
    tpu.vector_store %arg8[%swap3A_25], %swap3A_28 {strides = array<i32>} : memref<16xf32, #tpu.memory_space<vmem>>, vector<16xf32>,
    %swap3A_29 = arith.constant 0 : index
    %swap3A_30 = tpu.vector_load %arg9[%swap3A_29] {strides = array<i32>} : memref<16xf32, #tpu.memory_space<vmem>>, vector<16xf32>,
    %swap3A_31 = vector.shape_cast %swap3A_30 : vector<16xf32> to vector<16xf32>
    %swap3A_32 = vector.shape_cast %broadcast_in_dim3A : vector<16xf32> to vector<16xf32>
    tpu.vector_store %arg9[%swap3A_29], %swap3A_32 {strides = array<i32>} : memref<16xf32, #tpu.memory_space<vmem>>, vector<16xf32>,
    %mul3A_33 = arith.constant 48 : i32
    %mul3A_34 = arith.muli %add3A, %mul3A_33 : i32
    "tpu.region"() ({
      %run_scoped3A = tpu.sem_alloc : memref<!tpu.dma_semaphore, #tpu.memory_space<semaphore_mem>>
      %dma_start3A = tpu.memref_slice %arg4[%mul3A_34] : memref<1536xf32, #tpu.memory_space<hbm>> -> memref<16xf32, #tpu.memory_space<hbm>>
      %dma_start3A_43 = tpu.memref_slice %arg4[%mul3A_34] : memref<1536xf32, #tpu.memory_space<hbm>> -> memref<16xf32, #tpu.memory_space<hbm>>
      tpu.enqueue_dma source(%arg7 : memref<16xf32, #tpu.memory_space<vmem>>) target(%dma_start3A_43 : memref<16xf32, #tpu.memory_space<hbm>>) target_semaphore(%run_scoped3A : memref<!tpu.dma_semaphore, #tpu.memory_space<semaphore_mem>>)
      %dma_wait3A = tpu.memref_slice %arg4[%mul3A_34] : memref<1536xf32, #tpu.memory_space<hbm>> -> memref<16xf32, #tpu.memory_space<hbm>>
      %dma_wait3A_44 = tpu.memref_slice %arg4[%mul3A_34] : memref<1536xf32, #tpu.memory_space<hbm>> -> memref<16xf32, #tpu.memory_space<hbm>>
      tpu.wait_dma2 semaphore(%run_scoped3A : memref<!tpu.dma_semaphore, #tpu.memory_space<semaphore_mem>>) src(%arg7 : memref<16xf32, #tpu.memory_space<vmem>>) dst(%dma_wait3A_44 : memref<16xf32, #tpu.memory_space<hbm>>)
      tpu.yield
    }) : () -> ()
    %mul3A_35 = arith.constant 48 : i32
    %mul3A_36 = arith.muli %add3A, %mul3A_35 : i32
    %add3A_37 = arith.constant 16 : i32
    %add3A_38 = arith.addi %mul3A_36, %add3A_37 : i32
    "tpu.region"() ({
      %run_scoped3A = tpu.sem_alloc : memref<!tpu.dma_semaphore, #tpu.memory_space<semaphore_mem>>
      %dma_start3A = tpu.memref_slice %arg4[%add3A_38] : memref<1536xf32, #tpu.memory_space<hbm>> -> memref<16xf32, #tpu.memory_space<hbm>>
      %dma_start3A_43 = tpu.memref_slice %arg4[%add3A_38] : memref<1536xf32, #tpu.memory_space<hbm>> -> memref<16xf32, #tpu.memory_space<hbm>>
      tpu.enqueue_dma source(%arg8 : memref<16xf32, #tpu.memory_space<vmem>>) target(%dma_start3A_43 : memref<16xf32, #tpu.memory_space<hbm>>) target_semaphore(%run_scoped3A : memref<!tpu.dma_semaphore, #tpu.memory_space<semaphore_mem>>)
      %dma_wait3A = tpu.memref_slice %arg4[%add3A_38] : memref<1536xf32, #tpu.memory_space<hbm>> -> memref<16xf32, #tpu.memory_space<hbm>>
      %dma_wait3A_44 = tpu.memref_slice %arg4[%add3A_38] : memref<1536xf32, #tpu.memory_space<hbm>> -> memref<16xf32, #tpu.memory_space<hbm>>
      tpu.wait_dma2 semaphore(%run_scoped3A : memref<!tpu.dma_semaphore, #tpu.memory_space<semaphore_mem>>) src(%arg8 : memref<16xf32, #tpu.memory_space<vmem>>) dst(%dma_wait3A_44 : memref<16xf32, #tpu.memory_space<hbm>>)
      tpu.yield
    }) : () -> ()
    %mul3A_39 = arith.constant 48 : i32
    %mul3A_40 = arith.muli %add3A, %mul3A_39 : i32
    %add3A_41 = arith.constant 32 : i32
    %add3A_42 = arith.addi %mul3A_40, %add3A_41 : i32
    "tpu.region"() ({
      %run_scoped3A = tpu.sem_alloc : memref<!tpu.dma_semaphore, #tpu.memory_space<semaphore_mem>>
      %dma_start3A = tpu.memref_slice %arg4[%add3A_42] : memref<1536xf32, #tpu.memory_space<hbm>> -> memref<16xf32, #tpu.memory_space<hbm>>
      %dma_start3A_43 = tpu.memref_slice %arg4[%add3A_42] : memref<1536xf32, #tpu.memory_space<hbm>> -> memref<16xf32, #tpu.memory_space<hbm>>
      tpu.enqueue_dma source(%arg9 : memref<16xf32, #tpu.memory_space<vmem>>) target(%dma_start3A_43 : memref<16xf32, #tpu.memory_space<hbm>>) target_semaphore(%run_scoped3A : memref<!tpu.dma_semaphore, #tpu.memory_space<semaphore_mem>>)
      %dma_wait3A = tpu.memref_slice %arg4[%add3A_42] : memref<1536xf32, #tpu.memory_space<hbm>> -> memref<16xf32, #tpu.memory_space<hbm>>
      %dma_wait3A_44 = tpu.memref_slice %arg4[%add3A_42] : memref<1536xf32, #tpu.memory_space<hbm>> -> memref<16xf32, #tpu.memory_space<hbm>>
      tpu.wait_dma2 semaphore(%run_scoped3A : memref<!tpu.dma_semaphore, #tpu.memory_space<semaphore_mem>>) src(%arg9 : memref<16xf32, #tpu.memory_space<vmem>>) dst(%dma_wait3A_44 : memref<16xf32, #tpu.memory_space<hbm>>)
      tpu.yield
    }) : () -> ()
    return
  }
}

module attributes {stable_mosaic.version = 14 : i64} {
  func.func @_match_body(%arg0: i32, %arg1: memref<1x12x5xf32, #tpu.memory_space<vmem>>, %arg2: memref<4x8732xf32, #tpu.memory_space<vmem>>, %arg3: memref<1x8x8732xf32, #tpu.memory_space<vmem>>) attributes {dimension_semantics = [#tpu.dimension_semantics<arbitrary>], iteration_bounds = array<i64: 32>, scalar_prefetch = 0 : i64, scratch_operands = 0 : i64, tpu.core_type = #tpu.core_type<tc>, window_params = [{transform_indices = @transform_0, window_bounds = array<i64: 1, 12, 5>}, {pipeline_mode = #tpu.pipeline_mode<synchronous>, transform_indices = @transform_1, window_bounds = array<i64: 4, 8732>}, {transform_indices = @transform_2, window_bounds = array<i64: 1, 8, 8732>}]} {
    %get3A = arith.constant 0 : index
    %get3A_0 = arith.constant 0 : index
    %get3A_1 = arith.constant 0 : index
    %get3A_2 = vector.load %arg1[%get3A, %get3A_0, %get3A_1] : memref<1x12x5xf32, #tpu.memory_space<vmem>>, vector<1x12x5xf32>
    %get3A_3 = vector.shape_cast %get3A_2 : vector<1x12x5xf32> to vector<12x5xf32>
    %slice3A = vector.extract_strided_slice %get3A_3 {offsets = [0, 1], sizes = [12, 1], strides = [1, 1]} : vector<12x5xf32> to vector<12x1xf32>
    %slice3A_4 = vector.extract_strided_slice %get3A_3 {offsets = [0, 2], sizes = [12, 1], strides = [1, 1]} : vector<12x5xf32> to vector<12x1xf32>
    %slice3A_5 = vector.extract_strided_slice %get3A_3 {offsets = [0, 3], sizes = [12, 1], strides = [1, 1]} : vector<12x5xf32> to vector<12x1xf32>
    %slice3A_6 = vector.extract_strided_slice %get3A_3 {offsets = [0, 4], sizes = [12, 1], strides = [1, 1]} : vector<12x5xf32> to vector<12x1xf32>
    %get3A_7 = arith.constant 0 : index
    %get3A_8 = arith.constant 0 : index
    %get3A_9 = vector.load %arg2[%get3A_7, %get3A_8] : memref<4x8732xf32, #tpu.memory_space<vmem>>, vector<1x8732xf32>
    %get3A_10 = arith.constant 1 : index
    %get3A_11 = arith.constant 0 : index
    %get3A_12 = vector.load %arg2[%get3A_10, %get3A_11] : memref<4x8732xf32, #tpu.memory_space<vmem>>, vector<1x8732xf32>
    %get3A_13 = arith.constant 2 : index
    %get3A_14 = arith.constant 0 : index
    %get3A_15 = vector.load %arg2[%get3A_13, %get3A_14] : memref<4x8732xf32, #tpu.memory_space<vmem>>, vector<1x8732xf32>
    %get3A_16 = arith.constant 3 : index
    %get3A_17 = arith.constant 0 : index
    %get3A_18 = vector.load %arg2[%get3A_16, %get3A_17] : memref<4x8732xf32, #tpu.memory_space<vmem>>, vector<1x8732xf32>
    %mul3A = arith.constant 5.000000e-01 : f32
    %mul3A_19 = vector.broadcast %mul3A : f32 to vector<1x8732xf32>
    %mul3A_20 = arith.mulf %get3A_15, %mul3A_19 : vector<1x8732xf32>
    %sub3A = arith.subf %get3A_9, %mul3A_20 : vector<1x8732xf32>
    %mul3A_21 = arith.constant 5.000000e-01 : f32
    %mul3A_22 = vector.broadcast %mul3A_21 : f32 to vector<1x8732xf32>
    %mul3A_23 = arith.mulf %get3A_18, %mul3A_22 : vector<1x8732xf32>
    %sub3A_24 = arith.subf %get3A_12, %mul3A_23 : vector<1x8732xf32>
    %mul3A_25 = arith.constant 5.000000e-01 : f32
    %mul3A_26 = vector.broadcast %mul3A_25 : f32 to vector<1x8732xf32>
    %mul3A_27 = arith.mulf %get3A_15, %mul3A_26 : vector<1x8732xf32>
    %add3A = arith.addf %get3A_9, %mul3A_27 : vector<1x8732xf32>
    %mul3A_28 = arith.constant 5.000000e-01 : f32
    %mul3A_29 = vector.broadcast %mul3A_28 : f32 to vector<1x8732xf32>
    %mul3A_30 = arith.mulf %get3A_18, %mul3A_29 : vector<1x8732xf32>
    %add3A_31 = arith.addf %get3A_12, %mul3A_30 : vector<1x8732xf32>
    %min3A = vector.broadcast %slice3A_5 : vector<12x1xf32> to vector<12x8732xf32>
    %min3A_32 = vector.broadcast %add3A : vector<1x8732xf32> to vector<12x8732xf32>
    %min3A_33 = arith.minimumf %min3A, %min3A_32 : vector<12x8732xf32>
    %max3A = vector.broadcast %slice3A : vector<12x1xf32> to vector<12x8732xf32>
    %max3A_34 = vector.broadcast %sub3A : vector<1x8732xf32> to vector<12x8732xf32>
    %max3A_35 = arith.maximumf %max3A, %max3A_34 : vector<12x8732xf32>
    %sub3A_36 = arith.subf %min3A_33, %max3A_35 : vector<12x8732xf32>
    %max3A_37 = arith.constant 0.000000e+00 : f32
    %max3A_38 = vector.broadcast %max3A_37 : f32 to vector<12x8732xf32>
    %max3A_39 = arith.maximumf %sub3A_36, %max3A_38 : vector<12x8732xf32>
    %min3A_40 = vector.broadcast %slice3A_6 : vector<12x1xf32> to vector<12x8732xf32>
    %min3A_41 = vector.broadcast %add3A_31 : vector<1x8732xf32> to vector<12x8732xf32>
    %min3A_42 = arith.minimumf %min3A_40, %min3A_41 : vector<12x8732xf32>
    %max3A_43 = vector.broadcast %slice3A_4 : vector<12x1xf32> to vector<12x8732xf32>
    %max3A_44 = vector.broadcast %sub3A_24 : vector<1x8732xf32> to vector<12x8732xf32>
    %max3A_45 = arith.maximumf %max3A_43, %max3A_44 : vector<12x8732xf32>
    %sub3A_46 = arith.subf %min3A_42, %max3A_45 : vector<12x8732xf32>
    %max3A_47 = arith.constant 0.000000e+00 : f32
    %max3A_48 = vector.broadcast %max3A_47 : f32 to vector<12x8732xf32>
    %max3A_49 = arith.maximumf %sub3A_46, %max3A_48 : vector<12x8732xf32>
    %mul3A_50 = arith.mulf %max3A_39, %max3A_49 : vector<12x8732xf32>
    %sub3A_51 = arith.subf %slice3A_5, %slice3A : vector<12x1xf32>
    %sub3A_52 = arith.subf %slice3A_6, %slice3A_4 : vector<12x1xf32>
    %mul3A_53 = arith.mulf %sub3A_51, %sub3A_52 : vector<12x1xf32>
    %mul3A_54 = arith.mulf %get3A_15, %get3A_18 : vector<1x8732xf32>
    %add3A_55 = vector.broadcast %mul3A_53 : vector<12x1xf32> to vector<12x8732xf32>
    %add3A_56 = vector.broadcast %mul3A_54 : vector<1x8732xf32> to vector<12x8732xf32>
    %add3A_57 = arith.addf %add3A_55, %add3A_56 : vector<12x8732xf32>
    %sub3A_58 = arith.subf %add3A_57, %mul3A_50 : vector<12x8732xf32>
    %div3A = arith.divf %mul3A_50, %sub3A_58 : vector<12x8732xf32>
    %iota3A = tpu.iota {dimensions = array<i32: 0>} : vector<12x8732xi32>
    %iota3A_59 = tpu.iota {dimensions = array<i32: 1>} : vector<12x8732xi32>
    %reduce_max3A = arith.constant dense<0xFF800000> : vector<8732xf32>
    %reduce_max3A_60 = vector.multi_reduction <maximumf>, %div3A, %reduce_max3A [0] : vector<12x8732xf32> to vector<8732xf32>
    %broadcast_in_dim3A = vector.shape_cast %reduce_max3A_60 : vector<8732xf32> to vector<1x8732xf32>
    %eq3A = vector.broadcast %broadcast_in_dim3A : vector<1x8732xf32> to vector<12x8732xf32>
    %eq3A_61 = arith.cmpf oeq, %div3A, %eq3A : vector<12x8732xf32>
    %jit3A = arith.constant 12 : i32
    %broadcast_in_dim3A_62 = vector.broadcast %jit3A : i32 to vector<12x8732xi32>
    %select_n3A = arith.select %eq3A_61, %iota3A, %broadcast_in_dim3A_62 : vector<12x8732xi1>, vector<12x8732xi32>
    %reduce_min3A = arith.constant dense<2147483647> : vector<8732xi32>
    %reduce_min3A_63 = vector.multi_reduction <minsi>, %select_n3A, %reduce_min3A [0] : vector<12x8732xi32> to vector<8732xi32>
    %broadcast_in_dim3A_64 = vector.shape_cast %reduce_min3A_63 : vector<8732xi32> to vector<1x8732xi32>
    %reduce_max3A_65 = arith.constant dense<0xFF800000> : vector<12xf32>
    %reduce_max3A_66 = vector.multi_reduction <maximumf>, %div3A, %reduce_max3A_65 [1] : vector<12x8732xf32> to vector<12xf32>
    %broadcast_in_dim3A_67 = vector.shape_cast %reduce_max3A_66 : vector<12xf32> to vector<12x1xf32>
    %eq3A_68 = vector.broadcast %broadcast_in_dim3A_67 : vector<12x1xf32> to vector<12x8732xf32>
    %eq3A_69 = arith.cmpf oeq, %div3A, %eq3A_68 : vector<12x8732xf32>
    %jit3A_70 = arith.constant 8732 : i32
    %broadcast_in_dim3A_71 = vector.broadcast %jit3A_70 : i32 to vector<12x8732xi32>
    %select_n3A_72 = arith.select %eq3A_69, %iota3A_59, %broadcast_in_dim3A_71 : vector<12x8732xi1>, vector<12x8732xi32>
    %reduce_min3A_73 = arith.constant dense<2147483647> : vector<12xi32>
    %reduce_min3A_74 = vector.multi_reduction <minsi>, %select_n3A_72, %reduce_min3A_73 [1] : vector<12x8732xi32> to vector<12xi32>
    %broadcast_in_dim3A_75 = vector.shape_cast %reduce_min3A_74 : vector<12xi32> to vector<12x1xi32>
    %eq3A_76 = vector.broadcast %broadcast_in_dim3A_75 : vector<12x1xi32> to vector<12x8732xi32>
    %eq3A_77 = arith.cmpi eq, %iota3A_59, %eq3A_76 : vector<12x8732xi32>
    %jit3A_78 = arith.constant -1 : i32
    %broadcast_in_dim3A_79 = vector.broadcast %jit3A_78 : i32 to vector<12x8732xi32>
    %select_n3A_80 = arith.select %eq3A_77, %iota3A, %broadcast_in_dim3A_79 : vector<12x8732xi1>, vector<12x8732xi32>
    %reduce_max3A_81 = arith.constant dense<-2147483648> : vector<8732xi32>
    %reduce_max3A_82 = vector.multi_reduction <maxsi>, %select_n3A_80, %reduce_max3A_81 [0] : vector<12x8732xi32> to vector<8732xi32>
    %broadcast_in_dim3A_83 = vector.shape_cast %reduce_max3A_82 : vector<8732xi32> to vector<1x8732xi32>
    %ge3A = arith.constant 0 : i32
    %ge3A_84 = vector.broadcast %ge3A : i32 to vector<1x8732xi32>
    %ge3A_85 = arith.cmpi sge, %broadcast_in_dim3A_83, %ge3A_84 : vector<1x8732xi32>
    %select_n3A_86 = arith.select %ge3A_85, %broadcast_in_dim3A_83, %broadcast_in_dim3A_64 : vector<1x8732xi1>, vector<1x8732xi32>
    %jit3A_87 = arith.constant 2.000000e+00 : f32
    %broadcast_in_dim3A_88 = vector.broadcast %jit3A_87 : f32 to vector<1x8732xf32>
    %select_n3A_89 = arith.select %ge3A_85, %broadcast_in_dim3A_88, %broadcast_in_dim3A : vector<1x8732xi1>, vector<1x8732xf32>
    %eq3A_90 = vector.broadcast %select_n3A_86 : vector<1x8732xi32> to vector<12x8732xi32>
    %eq3A_91 = arith.cmpi eq, %iota3A, %eq3A_90 : vector<12x8732xi32>
    %convert_element_type3A = arith.extui %eq3A_91 : vector<12x8732xi1> to vector<12x8732xi32>
    %convert_element_type3A_92 = arith.sitofp %convert_element_type3A : vector<12x8732xi32> to vector<12x8732xf32>
    %transpose3A = tpu.transpose %get3A_3, [1, 0] : vector<12x5xf32> -> vector<5x12xf32>
    %dot_general3A = arith.constant dense<0.000000e+00> : vector<5x8732xf32>
    %dot_general3A_93 = tpu.matmul %transpose3A, %convert_element_type3A_92, %dot_general3A {dimension_numbers = #tpu.dot_dimension_numbers<[1], [0], [0], [1], [0, 0, 1, 1], [], []>, transpose_lhs_hint = false} : vector<5x12xf32>, vector<12x8732xf32>, vector<5x8732xf32> -> vector<5x8732xf32>
    %slice3A_94 = vector.extract_strided_slice %dot_general3A_93 {offsets = [0, 0], sizes = [1, 8732], strides = [1, 1]} : vector<5x8732xf32> to vector<1x8732xf32>
    %slice3A_95 = vector.extract_strided_slice %dot_general3A_93 {offsets = [1, 0], sizes = [1, 8732], strides = [1, 1]} : vector<5x8732xf32> to vector<1x8732xf32>
    %slice3A_96 = vector.extract_strided_slice %dot_general3A_93 {offsets = [2, 0], sizes = [1, 8732], strides = [1, 1]} : vector<5x8732xf32> to vector<1x8732xf32>
    %slice3A_97 = vector.extract_strided_slice %dot_general3A_93 {offsets = [3, 0], sizes = [1, 8732], strides = [1, 1]} : vector<5x8732xf32> to vector<1x8732xf32>
    %slice3A_98 = vector.extract_strided_slice %dot_general3A_93 {offsets = [4, 0], sizes = [1, 8732], strides = [1, 1]} : vector<5x8732xf32> to vector<1x8732xf32>
    %lt3A = arith.constant 5.000000e-01 : f32
    %lt3A_99 = vector.broadcast %lt3A : f32 to vector<1x8732xf32>
    %lt3A_100 = arith.cmpf olt, %select_n3A_89, %lt3A_99 : vector<1x8732xf32>
    %jit3A_101 = arith.constant 0.000000e+00 : f32
    %broadcast_in_dim3A_102 = vector.broadcast %jit3A_101 : f32 to vector<1x8732xf32>
    %select_n3A_103 = arith.select %lt3A_100, %broadcast_in_dim3A_102, %slice3A_94 : vector<1x8732xi1>, vector<1x8732xf32>
    %swap3A = arith.constant 0 : index
    %swap3A_104 = arith.constant 0 : index
    %swap3A_105 = arith.constant 0 : index
    %swap3A_106 = vector.load %arg3[%swap3A, %swap3A_104, %swap3A_105] : memref<1x8x8732xf32, #tpu.memory_space<vmem>>, vector<1x1x8732xf32>
    %swap3A_107 = vector.shape_cast %swap3A_106 : vector<1x1x8732xf32> to vector<1x8732xf32>
    %swap3A_108 = vector.shape_cast %select_n3A_103 : vector<1x8732xf32> to vector<1x1x8732xf32>
    tpu.vector_store %arg3[%swap3A, %swap3A_104, %swap3A_105], %swap3A_108 {strides = array<i32>} : memref<1x8x8732xf32, #tpu.memory_space<vmem>>, vector<1x1x8732xf32>,
    %add3A_109 = arith.addf %slice3A_95, %slice3A_97 : vector<1x8732xf32>
    %mul3A_110 = arith.constant 5.000000e-01 : f32
    %mul3A_111 = vector.broadcast %mul3A_110 : f32 to vector<1x8732xf32>
    %mul3A_112 = arith.mulf %add3A_109, %mul3A_111 : vector<1x8732xf32>
    %sub3A_113 = arith.subf %mul3A_112, %get3A_9 : vector<1x8732xf32>
    %mul3A_114 = arith.constant 1.000000e-01 : f32
    %mul3A_115 = vector.broadcast %mul3A_114 : f32 to vector<1x8732xf32>
    %mul3A_116 = arith.mulf %mul3A_115, %get3A_15 : vector<1x8732xf32>
    %div3A_117 = arith.divf %sub3A_113, %mul3A_116 : vector<1x8732xf32>
    %swap3A_118 = arith.constant 0 : index
    %swap3A_119 = arith.constant 1 : index
    %swap3A_120 = arith.constant 0 : index
    %swap3A_121 = vector.load %arg3[%swap3A_118, %swap3A_119, %swap3A_120] : memref<1x8x8732xf32, #tpu.memory_space<vmem>>, vector<1x1x8732xf32>
    %swap3A_122 = vector.shape_cast %swap3A_121 : vector<1x1x8732xf32> to vector<1x8732xf32>
    %swap3A_123 = vector.shape_cast %div3A_117 : vector<1x8732xf32> to vector<1x1x8732xf32>
    tpu.vector_store %arg3[%swap3A_118, %swap3A_119, %swap3A_120], %swap3A_123 {strides = array<i32>} : memref<1x8x8732xf32, #tpu.memory_space<vmem>>, vector<1x1x8732xf32>,
    %add3A_124 = arith.addf %slice3A_96, %slice3A_98 : vector<1x8732xf32>
    %mul3A_125 = arith.constant 5.000000e-01 : f32
    %mul3A_126 = vector.broadcast %mul3A_125 : f32 to vector<1x8732xf32>
    %mul3A_127 = arith.mulf %add3A_124, %mul3A_126 : vector<1x8732xf32>
    %sub3A_128 = arith.subf %mul3A_127, %get3A_12 : vector<1x8732xf32>
    %mul3A_129 = arith.constant 1.000000e-01 : f32
    %mul3A_130 = vector.broadcast %mul3A_129 : f32 to vector<1x8732xf32>
    %mul3A_131 = arith.mulf %mul3A_130, %get3A_18 : vector<1x8732xf32>
    %div3A_132 = arith.divf %sub3A_128, %mul3A_131 : vector<1x8732xf32>
    %swap3A_133 = arith.constant 0 : index
    %swap3A_134 = arith.constant 2 : index
    %swap3A_135 = arith.constant 0 : index
    %swap3A_136 = vector.load %arg3[%swap3A_133, %swap3A_134, %swap3A_135] : memref<1x8x8732xf32, #tpu.memory_space<vmem>>, vector<1x1x8732xf32>
    %swap3A_137 = vector.shape_cast %swap3A_136 : vector<1x1x8732xf32> to vector<1x8732xf32>
    %swap3A_138 = vector.shape_cast %div3A_132 : vector<1x8732xf32> to vector<1x1x8732xf32>
    tpu.vector_store %arg3[%swap3A_133, %swap3A_134, %swap3A_135], %swap3A_138 {strides = array<i32>} : memref<1x8x8732xf32, #tpu.memory_space<vmem>>, vector<1x1x8732xf32>,
    %sub3A_139 = arith.subf %slice3A_97, %slice3A_95 : vector<1x8732xf32>
    %div3A_140 = arith.divf %sub3A_139, %get3A_15 : vector<1x8732xf32>
    %log3A = math.log %div3A_140 : vector<1x8732xf32>
    %div3A_141 = arith.constant 2.000000e-01 : f32
    %div3A_142 = vector.broadcast %div3A_141 : f32 to vector<1x8732xf32>
    %div3A_143 = arith.divf %log3A, %div3A_142 : vector<1x8732xf32>
    %swap3A_144 = arith.constant 0 : index
    %swap3A_145 = arith.constant 3 : index
    %swap3A_146 = arith.constant 0 : index
    %swap3A_147 = vector.load %arg3[%swap3A_144, %swap3A_145, %swap3A_146] : memref<1x8x8732xf32, #tpu.memory_space<vmem>>, vector<1x1x8732xf32>
    %swap3A_148 = vector.shape_cast %swap3A_147 : vector<1x1x8732xf32> to vector<1x8732xf32>
    %swap3A_149 = vector.shape_cast %div3A_143 : vector<1x8732xf32> to vector<1x1x8732xf32>
    tpu.vector_store %arg3[%swap3A_144, %swap3A_145, %swap3A_146], %swap3A_149 {strides = array<i32>} : memref<1x8x8732xf32, #tpu.memory_space<vmem>>, vector<1x1x8732xf32>,
    %sub3A_150 = arith.subf %slice3A_98, %slice3A_96 : vector<1x8732xf32>
    %div3A_151 = arith.divf %sub3A_150, %get3A_18 : vector<1x8732xf32>
    %log3A_152 = math.log %div3A_151 : vector<1x8732xf32>
    %div3A_153 = arith.constant 2.000000e-01 : f32
    %div3A_154 = vector.broadcast %div3A_153 : f32 to vector<1x8732xf32>
    %div3A_155 = arith.divf %log3A_152, %div3A_154 : vector<1x8732xf32>
    %swap3A_156 = arith.constant 0 : index
    %swap3A_157 = arith.constant 4 : index
    %swap3A_158 = arith.constant 0 : index
    %swap3A_159 = vector.load %arg3[%swap3A_156, %swap3A_157, %swap3A_158] : memref<1x8x8732xf32, #tpu.memory_space<vmem>>, vector<1x1x8732xf32>
    %swap3A_160 = vector.shape_cast %swap3A_159 : vector<1x1x8732xf32> to vector<1x8732xf32>
    %swap3A_161 = vector.shape_cast %div3A_155 : vector<1x8732xf32> to vector<1x1x8732xf32>
    tpu.vector_store %arg3[%swap3A_156, %swap3A_157, %swap3A_158], %swap3A_161 {strides = array<i32>} : memref<1x8x8732xf32, #tpu.memory_space<vmem>>, vector<1x1x8732xf32>,
    %broadcast_in_dim3A_162 = arith.constant 0.000000e+00 : f32
    %broadcast_in_dim3A_163 = vector.broadcast %broadcast_in_dim3A_162 : f32 to vector<3x8732xf32>
    %swap3A_164 = arith.constant 0 : index
    %swap3A_165 = arith.constant 5 : index
    %swap3A_166 = arith.constant 0 : index
    %swap3A_167 = vector.load %arg3[%swap3A_164, %swap3A_165, %swap3A_166] : memref<1x8x8732xf32, #tpu.memory_space<vmem>>, vector<1x3x8732xf32>
    %swap3A_168 = vector.shape_cast %swap3A_167 : vector<1x3x8732xf32> to vector<3x8732xf32>
    %swap3A_169 = vector.shape_cast %broadcast_in_dim3A_163 : vector<3x8732xf32> to vector<1x3x8732xf32>
    tpu.vector_store %arg3[%swap3A_164, %swap3A_165, %swap3A_166], %swap3A_169 {strides = array<i32>} : memref<1x8x8732xf32, #tpu.memory_space<vmem>>, vector<1x3x8732xf32>,
    return
  }
  func.func @transform_0(%arg0: i32) -> (i32, i32, i32) {
    %c0_i32 = arith.constant 0 : i32
    %c0_i32_0 = arith.constant 0 : i32
    %c0_i32_1 = arith.constant 0 : i32
    return %arg0, %c0_i32, %c0_i32_0 : i32, i32, i32
  }
  func.func @transform_1(%arg0: i32) -> (i32, i32) {
    %c0_i32 = arith.constant 0 : i32
    %c0_i32_0 = arith.constant 0 : i32
    %c0_i32_1 = arith.constant 0 : i32
    return %c0_i32, %c0_i32_0 : i32, i32
  }
  func.func @transform_2(%arg0: i32) -> (i32, i32, i32) {
    %c0_i32 = arith.constant 0 : i32
    %c0_i32_0 = arith.constant 0 : i32
    %c0_i32_1 = arith.constant 0 : i32
    return %arg0, %c0_i32, %c0_i32_0 : i32, i32, i32
  }
}

module attributes {stable_mosaic.version = 14 : i64} {
  func.func @_loss_body(%arg0: i32, %arg1: memref<1x4x8732xf32, #tpu.memory_space<vmem>>, %arg2: memref<1x21x8732xf32, #tpu.memory_space<vmem>>, %arg3: memref<1x8x8732xf32, #tpu.memory_space<vmem>>, %arg4: memref<32x8832xf32, #tpu.memory_space<vmem>>, %arg5: memref<4xf32, #tpu.memory_space<smem>>, %arg6: memref<3xf32, #tpu.memory_space<smem>>) attributes {dimension_semantics = [#tpu.dimension_semantics<arbitrary>], iteration_bounds = array<i64: 32>, scalar_prefetch = 0 : i64, scratch_operands = 1 : i64, tpu.core_type = #tpu.core_type<tc>, window_params = [{transform_indices = @transform_0, window_bounds = array<i64: 1, 4, 8732>}, {transform_indices = @transform_1, window_bounds = array<i64: 1, 21, 8732>}, {transform_indices = @transform_2, window_bounds = array<i64: 1, 8, 8732>}, {pipeline_mode = #tpu.pipeline_mode<synchronous>, transform_indices = @transform_3, window_bounds = array<i64: 32, 8832>}, {transform_indices = @transform_4, window_bounds = array<i64: 4>}]} {
    %eq3A = arith.constant 0 : i32
    %eq3A_0 = arith.cmpi eq, %arg0, %eq3A : i32
    %convert_element_type3A = arith.extui %eq3A_0 : i1 to i32
    %cond3A = arith.constant 0 : i32
    %cond3A_1 = arith.cmpi ne, %convert_element_type3A, %cond3A : i32
    scf.if %cond3A_1 {
      %swap3A_92 = arith.constant 0.000000e+00 : f32
      %swap3A_93 = arith.constant 0 : index
      %swap3A_94 = memref.load %arg6[%swap3A_93] : memref<3xf32, #tpu.memory_space<smem>>
      memref.store %swap3A_92, %arg6[%swap3A_93] : memref<3xf32, #tpu.memory_space<smem>>
      %swap3A_95 = arith.constant 0.000000e+00 : f32
      %swap3A_96 = arith.constant 1 : index
      %swap3A_97 = memref.load %arg6[%swap3A_96] : memref<3xf32, #tpu.memory_space<smem>>
      memref.store %swap3A_95, %arg6[%swap3A_96] : memref<3xf32, #tpu.memory_space<smem>>
      %swap3A_98 = arith.constant 0.000000e+00 : f32
      %swap3A_99 = arith.constant 2 : index
      %swap3A_100 = memref.load %arg6[%swap3A_99] : memref<3xf32, #tpu.memory_space<smem>>
      memref.store %swap3A_98, %arg6[%swap3A_99] : memref<3xf32, #tpu.memory_space<smem>>
    } else {
    }
    %get3A = arith.constant 0 : index
    %get3A_2 = arith.constant 0 : index
    %get3A_3 = arith.constant 0 : index
    %get3A_4 = vector.load %arg3[%get3A, %get3A_2, %get3A_3] : memref<1x8x8732xf32, #tpu.memory_space<vmem>>, vector<1x1x8732xf32>
    %get3A_5 = vector.shape_cast %get3A_4 : vector<1x1x8732xf32> to vector<1x8732xf32>
    %gt3A = arith.constant 0.000000e+00 : f32
    %gt3A_6 = vector.broadcast %gt3A : f32 to vector<1x8732xf32>
    %gt3A_7 = arith.cmpf ogt, %get3A_5, %gt3A_6 : vector<1x8732xf32>
    %convert_element_type3A_8 = arith.extui %gt3A_7 : vector<1x8732xi1> to vector<1x8732xi32>
    %convert_element_type3A_9 = arith.sitofp %convert_element_type3A_8 : vector<1x8732xi32> to vector<1x8732xf32>
    %reduce_sum3A = vector.shape_cast %convert_element_type3A_9 : vector<1x8732xf32> to vector<1x1x8732xf32>
    %reduce_sum3A_10 = arith.constant dense<0.000000e+00> : vector<1xf32>
    %reduce_sum3A_11 = vector.multi_reduction <add>, %reduce_sum3A, %reduce_sum3A_10 [1, 2] : vector<1x1x8732xf32> to vector<1xf32>
    %reduce_sum3A_12 = vector.shape_cast %reduce_sum3A_11 : vector<1xf32> to vector<1x1x1xf32>
    %reduce_sum3A_13 = vector.extract %reduce_sum3A_12[0, 0, 0] : f32 from vector<1x1x1xf32>
    %get3A_14 = arith.constant 0 : index
    %get3A_15 = arith.constant 0 : index
    %get3A_16 = arith.constant 0 : index
    %get3A_17 = vector.load %arg1[%get3A_14, %get3A_15, %get3A_16] : memref<1x4x8732xf32, #tpu.memory_space<vmem>>, vector<1x4x8732xf32>
    %get3A_18 = vector.shape_cast %get3A_17 : vector<1x4x8732xf32> to vector<4x8732xf32>
    %get3A_19 = arith.constant 0 : index
    %get3A_20 = arith.constant 1 : index
    %get3A_21 = arith.constant 0 : index
    %get3A_22 = vector.load %arg3[%get3A_19, %get3A_20, %get3A_21] : memref<1x8x8732xf32, #tpu.memory_space<vmem>>, vector<1x4x8732xf32>
    %get3A_23 = vector.shape_cast %get3A_22 : vector<1x4x8732xf32> to vector<4x8732xf32>
    %sub3A = arith.subf %get3A_18, %get3A_23 : vector<4x8732xf32>
    %abs3A = math.absf %sub3A : vector<4x8732xf32>
    %lt3A = arith.constant 1.000000e+00 : f32
    %lt3A_24 = vector.broadcast %lt3A : f32 to vector<4x8732xf32>
    %lt3A_25 = arith.cmpf olt, %abs3A, %lt3A_24 : vector<4x8732xf32>
    %mul3A = arith.constant 5.000000e-01 : f32
    %mul3A_26 = vector.broadcast %mul3A : f32 to vector<4x8732xf32>
    %mul3A_27 = arith.mulf %mul3A_26, %sub3A : vector<4x8732xf32>
    %mul3A_28 = arith.mulf %mul3A_27, %sub3A : vector<4x8732xf32>
    %sub3A_29 = arith.constant 5.000000e-01 : f32
    %sub3A_30 = vector.broadcast %sub3A_29 : f32 to vector<4x8732xf32>
    %sub3A_31 = arith.subf %abs3A, %sub3A_30 : vector<4x8732xf32>
    %select_n3A = arith.select %lt3A_25, %mul3A_28, %sub3A_31 : vector<4x8732xi1>, vector<4x8732xf32>
    %mul3A_32 = vector.broadcast %convert_element_type3A_9 : vector<1x8732xf32> to vector<4x8732xf32>
    %mul3A_33 = arith.mulf %select_n3A, %mul3A_32 : vector<4x8732xf32>
    %reduce_sum3A_34 = vector.shape_cast %mul3A_33 : vector<4x8732xf32> to vector<1x4x8732xf32>
    %reduce_sum3A_35 = arith.constant dense<0.000000e+00> : vector<1xf32>
    %reduce_sum3A_36 = vector.multi_reduction <add>, %reduce_sum3A_34, %reduce_sum3A_35 [1, 2] : vector<1x4x8732xf32> to vector<1xf32>
    %reduce_sum3A_37 = vector.shape_cast %reduce_sum3A_36 : vector<1xf32> to vector<1x1x1xf32>
    %reduce_sum3A_38 = vector.extract %reduce_sum3A_37[0, 0, 0] : f32 from vector<1x1x1xf32>
    %get3A_39 = arith.constant 0 : index
    %get3A_40 = arith.constant 0 : index
    %get3A_41 = arith.constant 0 : index
    %get3A_42 = vector.load %arg2[%get3A_39, %get3A_40, %get3A_41] : memref<1x21x8732xf32, #tpu.memory_space<vmem>>, vector<1x21x8732xf32>
    %get3A_43 = vector.shape_cast %get3A_42 : vector<1x21x8732xf32> to vector<21x8732xf32>
    %reduce_max3A = arith.constant dense<0xFF800000> : vector<8732xf32>
    %reduce_max3A_44 = vector.multi_reduction <maximumf>, %get3A_43, %reduce_max3A [0] : vector<21x8732xf32> to vector<8732xf32>
    %broadcast_in_dim3A = vector.shape_cast %reduce_max3A_44 : vector<8732xf32> to vector<1x8732xf32>
    %sub3A_45 = vector.broadcast %broadcast_in_dim3A : vector<1x8732xf32> to vector<21x8732xf32>
    %sub3A_46 = arith.subf %get3A_43, %sub3A_45 : vector<21x8732xf32>
    %exp3A = math.exp %sub3A_46 : vector<21x8732xf32>
    %reduce_sum3A_47 = arith.constant dense<0.000000e+00> : vector<8732xf32>
    %reduce_sum3A_48 = vector.multi_reduction <add>, %exp3A, %reduce_sum3A_47 [0] : vector<21x8732xf32> to vector<8732xf32>
    %broadcast_in_dim3A_49 = vector.shape_cast %reduce_sum3A_48 : vector<8732xf32> to vector<1x8732xf32>
    %log3A = math.log %broadcast_in_dim3A_49 : vector<1x8732xf32>
    %add3A = arith.addf %log3A, %broadcast_in_dim3A : vector<1x8732xf32>
    %iota3A = tpu.iota {dimensions = array<i32: 0>} : vector<21x8732xi32>
    %convert_element_type3A_50 = arith.fptosi %get3A_5 : vector<1x8732xf32> to vector<1x8732xi32>
    %eq3A_51 = vector.broadcast %convert_element_type3A_50 : vector<1x8732xi32> to vector<21x8732xi32>
    %eq3A_52 = arith.cmpi eq, %iota3A, %eq3A_51 : vector<21x8732xi32>
    %jit3A = arith.constant 0.000000e+00 : f32
    %broadcast_in_dim3A_53 = vector.broadcast %jit3A : f32 to vector<21x8732xf32>
    %select_n3A_54 = arith.select %eq3A_52, %get3A_43, %broadcast_in_dim3A_53 : vector<21x8732xi1>, vector<21x8732xf32>
    %reduce_sum3A_55 = arith.constant dense<0.000000e+00> : vector<8732xf32>
    %reduce_sum3A_56 = vector.multi_reduction <add>, %select_n3A_54, %reduce_sum3A_55 [0] : vector<21x8732xf32> to vector<8732xf32>
    %broadcast_in_dim3A_57 = vector.shape_cast %reduce_sum3A_56 : vector<8732xf32> to vector<1x8732xf32>
    %sub3A_58 = arith.subf %add3A, %broadcast_in_dim3A_57 : vector<1x8732xf32>
    %mul3A_59 = arith.mulf %sub3A_58, %convert_element_type3A_9 : vector<1x8732xf32>
    %reduce_sum3A_60 = vector.shape_cast %mul3A_59 : vector<1x8732xf32> to vector<1x1x8732xf32>
    %reduce_sum3A_61 = arith.constant dense<0.000000e+00> : vector<1xf32>
    %reduce_sum3A_62 = vector.multi_reduction <add>, %reduce_sum3A_60, %reduce_sum3A_61 [1, 2] : vector<1x1x8732xf32> to vector<1xf32>
    %reduce_sum3A_63 = vector.shape_cast %reduce_sum3A_62 : vector<1xf32> to vector<1x1x1xf32>
    %reduce_sum3A_64 = vector.extract %reduce_sum3A_63[0, 0, 0] : f32 from vector<1x1x1xf32>
    %jit3A_65 = arith.constant -1.000000e+00 : f32
    %broadcast_in_dim3A_66 = vector.broadcast %jit3A_65 : f32 to vector<1x8732xf32>
    %select_n3A_67 = arith.select %gt3A_7, %broadcast_in_dim3A_66, %sub3A_58 : vector<1x8732xi1>, vector<1x8732xf32>
    %broadcast_in_dim3A_68 = arith.constant -1.000000e+00 : f32
    %broadcast_in_dim3A_69 = vector.broadcast %broadcast_in_dim3A_68 : f32 to vector<1x100xf32>
    %concatenate3A = tpu.concatenate %select_n3A_67, %broadcast_in_dim3A_69 in 1 : vector<1x8732xf32>, vector<1x100xf32> -> vector<1x8832xf32>
    %swap3A = arith.index_cast %arg0 : i32 to index
    %swap3A_70 = arith.constant 0 : index
    %swap3A_71 = vector.load %arg4[%swap3A, %swap3A_70] : memref<32x8832xf32, #tpu.memory_space<vmem>>, vector<1x8832xf32>
    tpu.vector_store %arg4[%swap3A, %swap3A_70], %concatenate3A {strides = array<i32>} : memref<32x8832xf32, #tpu.memory_space<vmem>>, vector<1x8832xf32>,
    %get3A_72 = arith.constant 0 : index
    %get3A_73 = memref.load %arg6[%get3A_72] : memref<3xf32, #tpu.memory_space<smem>>
    %add3A_74 = arith.addf %get3A_73, %reduce_sum3A_38 : f32
    %swap3A_75 = arith.constant 0 : index
    %swap3A_76 = memref.load %arg6[%swap3A_75] : memref<3xf32, #tpu.memory_space<smem>>
    memref.store %add3A_74, %arg6[%swap3A_75] : memref<3xf32, #tpu.memory_space<smem>>
    %get3A_77 = arith.constant 1 : index
    %get3A_78 = memref.load %arg6[%get3A_77] : memref<3xf32, #tpu.memory_space<smem>>
    %add3A_79 = arith.addf %get3A_78, %reduce_sum3A_64 : f32
    %swap3A_80 = arith.constant 1 : index
    %swap3A_81 = memref.load %arg6[%swap3A_80] : memref<3xf32, #tpu.memory_space<smem>>
    memref.store %add3A_79, %arg6[%swap3A_80] : memref<3xf32, #tpu.memory_space<smem>>
    %get3A_82 = arith.constant 2 : index
    %get3A_83 = memref.load %arg6[%get3A_82] : memref<3xf32, #tpu.memory_space<smem>>
    %add3A_84 = arith.addf %get3A_83, %reduce_sum3A_13 : f32
    %swap3A_85 = arith.constant 2 : index
    %swap3A_86 = memref.load %arg6[%swap3A_85] : memref<3xf32, #tpu.memory_space<smem>>
    memref.store %add3A_84, %arg6[%swap3A_85] : memref<3xf32, #tpu.memory_space<smem>>
    %eq3A_87 = arith.constant 31 : i32
    %eq3A_88 = arith.cmpi eq, %arg0, %eq3A_87 : i32
    %convert_element_type3A_89 = arith.extui %eq3A_88 : i1 to i32
    %cond3A_90 = arith.constant 0 : i32
    %cond3A_91 = arith.cmpi ne, %convert_element_type3A_89, %cond3A_90 : i32
    scf.if %cond3A_91 {
      %get3A_92 = arith.constant 0 : index
      %get3A_93 = memref.load %arg6[%get3A_92] : memref<3xf32, #tpu.memory_space<smem>>
      %swap3A_94 = arith.constant 0 : index
      %swap3A_95 = memref.load %arg5[%swap3A_94] : memref<4xf32, #tpu.memory_space<smem>>
      memref.store %get3A_93, %arg5[%swap3A_94] : memref<4xf32, #tpu.memory_space<smem>>
      %get3A_96 = arith.constant 1 : index
      %get3A_97 = memref.load %arg6[%get3A_96] : memref<3xf32, #tpu.memory_space<smem>>
      %swap3A_98 = arith.constant 1 : index
      %swap3A_99 = memref.load %arg5[%swap3A_98] : memref<4xf32, #tpu.memory_space<smem>>
      memref.store %get3A_97, %arg5[%swap3A_98] : memref<4xf32, #tpu.memory_space<smem>>
      %get3A_100 = arith.constant 2 : index
      %get3A_101 = memref.load %arg6[%get3A_100] : memref<3xf32, #tpu.memory_space<smem>>
      %swap3A_102 = arith.constant 2 : index
      %swap3A_103 = memref.load %arg5[%swap3A_102] : memref<4xf32, #tpu.memory_space<smem>>
      memref.store %get3A_101, %arg5[%swap3A_102] : memref<4xf32, #tpu.memory_space<smem>>
    } else {
    }
    return
  }
  func.func @transform_0(%arg0: i32) -> (i32, i32, i32) {
    %c0_i32 = arith.constant 0 : i32
    %c0_i32_0 = arith.constant 0 : i32
    %c0_i32_1 = arith.constant 0 : i32
    return %arg0, %c0_i32, %c0_i32_0 : i32, i32, i32
  }
  func.func @transform_1(%arg0: i32) -> (i32, i32, i32) {
    %c0_i32 = arith.constant 0 : i32
    %c0_i32_0 = arith.constant 0 : i32
    %c0_i32_1 = arith.constant 0 : i32
    return %arg0, %c0_i32, %c0_i32_0 : i32, i32, i32
  }
  func.func @transform_2(%arg0: i32) -> (i32, i32, i32) {
    %c0_i32 = arith.constant 0 : i32
    %c0_i32_0 = arith.constant 0 : i32
    %c0_i32_1 = arith.constant 0 : i32
    return %arg0, %c0_i32, %c0_i32_0 : i32, i32, i32
  }
  func.func @transform_3(%arg0: i32) -> (i32, i32) {
    %c0_i32 = arith.constant 0 : i32
    %c0_i32_0 = arith.constant 0 : i32
    %c0_i32_1 = arith.constant 0 : i32
    return %c0_i32, %c0_i32_0 : i32, i32
  }
  func.func @transform_4(%arg0: i32) -> i32 {
    %c0_i32 = arith.constant 0 : i32
    %c0_i32_0 = arith.constant 0 : i32
    return %c0_i32 : i32
  }
}

</mosaic_0001>

<sc_bundles>
// kernel: kernel.5.cloned.1.call-start
scs
__scs_entry_jumppad:
0x0: {  	(pc) =	sbr.rel $0x88, $3  }
0x1: {  	(tag) =	ssettag $0x0;
	lr =	simm.s32 $0x1  }
0x2: {  	[smem:$0x3F9E] =	sst lr;
	_ =	strace $0xD0000000  }
0x3: {  	_ = 	snop  }
0x4: {  	_ = 	snop  }
0x5: {  	_ = 	snop  }
0x6: {  	_ = 	snop  }
0x7: {  	_ = 	snop  }
__scs_overlays_trampoline_lowered:
0x8: {  	[smem:$0x3FAD] =	sst s0  }
0x9: {  	[smem:$0x3FAE] =	sst s1  }
0xa: {  	[smem:$0x3FAF] =	sst s2  }
0xb: {  	[smem:$0x3FB0] =	sst s3  }
0xc: {  	[smem:$0x3FB1] =	sst s4  }
0xd: {  	[smem:$0x3FB2] =	sst s5  }
0xe: {  	[smem:$0x3FB3] =	sst s6  }
0xf: {  	[smem:$0x3FB4] =	sst s7  }
0x10: {  	[smem:$0x3FB5] =	sst s8  }
0x11: {  	[smem:$0x3FB6] =	sst s9;
	s0 =	simm.s32 @!p0 $0x0  }
0x12: {  	s1 =	sld [smem:$0x3F9C];
	s0 =	simm.s32 @p0 $0x1  }
0x13: {  	[smem:$0x3FB7] =	sst s0;
	s0 =	simm.s32 @!p1 $0x0  }
0x14: {  	s2 =	sld [smem:$0x3F9B];
	s0 =	simm.s32 @p1 $0x1  }
0x15: {  	[smem:$0x3FB8] =	sst s0;
	s0 =	simm.s32 @!p2 $0x0  }
0x16: {  	s3 =	sld [smem:$0x3FDB];
	s0 =	simm.s32 @p2 $0x1  }
0x17: {  	s4 =	simm.s32 $0x1BF5;
	[smem:$0x3FBA] =	sst s0  }
0x18: {  	s0 =	sld [smem:$0x3F9D];
	_ =	swait.ge [sflag:s4], $0x0  }
0x19: {  	s7 =	sld [smem:$0x3F9E]  }
0x1a: {  	s8 =	sadd.s32 $0xFFFFE003, lr  }
0x1b: {  	s9 =	sadd.s32 $0xFFFFFEF7, lr;
	s5 =	simm.s32 $0xFFFFFFFF;
	p2 =	slt.u32 s8, $0xFFFFF086  }
0x1c: {  	p1 =	slt.u32 s9, $0xF7A;
	s5 =	simm.s32 @!p2 $0x0  }
0x1d: {  	s5 =	simm.s32 @p1 $0x1;
	p0 =	seq.s32 s7, s2  }
0x1e: {  	s7 =	smul.u32 @!p0 $0xF7A, s2;
	p2 =	seq.s32 @!p0 s5, $0x0  }
0x1f: {  	s9 =	smul.u32 $0xF7A, s1;
	s8 =	simm.s32 @!p0 $0x1BF5;
	p2 =	por !p2, p0  }
0x20: {  	[sflag:s8] =	ssyncset.s32 @!p0 $0xFFFFF086;
	s6 =	sadd.s32 @!p0 s3, s7;
	s7 =	simm.s32 @!p0 $0x108  }
0x21: {  	s3 =	sadd.s32 s3, s9;
	s6 =	sadd.s32 @!p0 $0x88, s6;
	s7 =	simm.s32 @p2 $0x1082  }
0x22: {  	[simem:s7], [sflag:s8] =	dma.local @!p0 [hbm:s6], $0xF7A  }
0x23: {  	s9 =	sor.u32 $0xD0000000, s2;
	s6 =	simm.s32 $0x108;
	_ =	swait.ge @!p0 [sflag:s8], $0x0  }
0x24: {  	s3 =	sadd.s32 $0x88, s3;
	s6 =	simm.s32 @!p1 $0x1082;
	[sflag:s4] =	ssyncset.s32 $0xFFFFF086  }
0x25: {  	[simem:s6], [sflag:s4] =	dma.local [hbm:s3], $0xF7A  }
0x26: {  	[smem:$0x3F9E] =	sst s1;
	(tag) =	ssettag s2;
	_ =	strace s9  }
0x27: {  	s1 =	sld [smem:$0x3FAE]  }
0x28: {  	s2 =	sld [smem:$0x3FAF]  }
0x29: {  	s4 =	sld [smem:$0x3FB1]  }
0x2a: {  	p0 =	seq.s32 s5, $0x0;
	s5 =	sld [smem:$0x3FB2]  }
0x2b: {  	s6 =	sld [smem:$0x3FB3]  }
0x2c: {  	s7 =	sld [smem:$0x3FB4]  }
0x2d: {  	s3 =	simm.s32 $0x108;
	s8 =	sld [smem:$0x3FB5]  }
0x2e: {  	s3 =	simm.s32 @!p0 $0x1082;
	s9 =	sld [smem:$0x3FB6]  }
0x2f: {  	lr =	sadd.s32 s0, s3;
	s0 =	sld [smem:$0x3FAD]  }
0x30: {  	s3 =	sld [smem:$0x3FB0]  }
0x31: {  	[smem:$0x3FB9] =	sst s10  }
0x32: {  	s10 =	sld [smem:$0x3FB7];
	_ =	sdelay $0x3  }
0x33: {  	p0 =	seq.s32 s10, $0x1;
	s10 =	sld [smem:$0x3FB9];
	_ =	sdelay $0x3  }
0x34: {  	[smem:$0x3FB9] =	sst s10  }
0x35: {  	s10 =	sld [smem:$0x3FB8];
	_ =	sdelay $0x3  }
0x36: {  	p1 =	seq.s32 s10, $0x1;
	s10 =	sld [smem:$0x3FB9];
	_ =	sdelay $0x3  }
0x37: {  	[smem:$0x3FB9] =	sst s10  }
0x38: {  	s10 =	sld [smem:$0x3FBA]  }
0x39: {  	_ = 	snop;
	(pc) =	sbr.ind lr, $3  }
0x3a: {  	_ = 	snop  }
0x3b: {  	_ = 	snop  }
0x3c: {  	p2 =	seq.s32 s10, $0x1;
	s10 =	sld [smem:$0x3FB9]  }
0x3d: {  	_ =	shalt  }
0x3e: {  	_ =	shalt  }
0x3f: {  	_ =	shalt  }
0x40: {  	_ =	shalt  }
0x41: {  	_ =	shalt  }
0x42: {  	_ =	shalt  }
0x43: {  	_ =	shalt  }
0x44: {  	_ =	shalt  }
0x45: {  	_ =	shalt  }
0x46: {  	_ =	shalt  }
0x47: {  	_ =	shalt  }
0x48: {  	_ =	shalt  }
0x49: {  	_ =	shalt  }
0x4a: {  	_ =	shalt  }
0x4b: {  	_ =	shalt  }
0x4c: {  	_ =	shalt  }
0x4d: {  	_ =	shalt  }
0x4e: {  	_ =	shalt  }
0x4f: {  	_ =	shalt  }
0x50: {  	_ =	shalt  }
0x51: {  	_ =	shalt  }
0x52: {  	_ =	shalt  }
0x53: {  	_ =	shalt  }
0x54: {  	_ =	shalt  }
0x55: {  	_ =	shalt  }
0x56: {  	_ =	shalt  }
0x57: {  	_ =	shalt  }
0x58: {  	_ =	shalt  }
0x59: {  	_ =	shalt  }
0x5a: {  	_ =	shalt  }
0x5b: {  	_ =	shalt  }
0x5c: {  	_ =	shalt  }
0x5d: {  	_ =	shalt  }
0x5e: {  	_ =	shalt  }
0x5f: {  	_ =	shalt  }
0x60: {  	_ =	shalt  }
0x61: {  	_ =	shalt  }
0x62: {  	_ =	shalt  }
0x63: {  	_ =	shalt  }
0x64: {  	_ =	shalt  }
0x65: {  	_ =	shalt  }
0x66: {  	_ =	shalt  }
0x67: {  	_ =	shalt  }
0x68: {  	_ =	shalt  }
0x69: {  	_ =	shalt  }
0x6a: {  	_ =	shalt  }
0x6b: {  	_ =	shalt  }
0x6c: {  	_ =	shalt  }
0x6d: {  	_ =	shalt  }
0x6e: {  	_ =	shalt  }
0x6f: {  	_ =	shalt  }
0x70: {  	_ =	shalt  }
0x71: {  	_ =	shalt  }
0x72: {  	_ =	shalt  }
0x73: {  	_ =	shalt  }
0x74: {  	_ =	shalt  }
0x75: {  	_ =	shalt  }
0x76: {  	_ =	shalt  }
0x77: {  	_ =	shalt  }
0x78: {  	_ =	shalt  }
0x79: {  	_ =	shalt  }
0x7a: {  	_ =	shalt  }
0x7b: {  	_ =	shalt  }
0x7c: {  	_ =	shalt  }
0x7d: {  	_ =	shalt  }
0x7e: {  	_ =	shalt  }
0x7f: {  	_ =	shalt  }
0x80: {  	_ =	shalt  }
0x81: {  	_ =	shalt  }
0x82: {  	_ =	shalt  }
0x83: {  	_ =	shalt  }
0x84: {  	_ =	shalt  }
0x85: {  	_ =	shalt  }
0x86: {  	_ =	shalt  }
0x87: {  	_ =	shalt  }
.Lfunc_end0:
.L_simem_size_0:
called_computation_lowered:
.L_overlay_start_0:
0x88: {  	s2 =	sld [smem:$0x3FD9]  }
0x89: {  	s3 =	sld [smem:$0x3FFE];
	_ =	sdelay $0x1  }
0x8a: {  	s1 =	srdreg.scid  }
0x8b: {  	s0 =	sand.u32 $0x1, s1  }
0x8c: {  	s16 =	sshll.u32 s0, $0xA;
	s2 =	sadd.s32 s3, s2  }
0x8d: {  	s2 =	sadd.s32 s2, s16  }
0x8e: {  	[smem:$0x3FC5] =	sst s2  }
0x8f: {  	_ = 	snop  }
0x90: {  	(tm) =	ssettm $0x1  }
0x91: {  	s17 =	sld [smem:$0x3FFB];
	_ =	sdelay $0x3  }
0x92: {  	_ =	strace s17  }
0x93: {  	s2 =	sld [smem:$0x3FFC];
	_ =	sdelay $0x3  }
0x94: {  	_ =	strace s2  }
0x95: {  	s2 =	sld [smem:$0x3FFD];
	_ =	sdelay $0x3  }
0x96: {  	_ =	strace s2  }
0x97: {  	_ =	strace $0x8FFFFFFF  }
0x98: {  	s18 =	sld [smem:$0x3FDB];
	_ =	sdelay $0x1  }
0x99: {  	s19 =	simm.s32 $_scs_section_size  }
0x9a: {  	s4 =	simm.s32 $_size__tile_overlayer_lowered;
	s5 =	simm.s32 $_tile_overlayer_lowered  }
0x9b: {  	s22 =	simm.s32 $0x1BFF;
	s21 =	sshll.u32 s5, $0x1;
	s2 =	sadd.s32 s19, s18  }
0x9c: {  	s6 =	simm.s32 $0x0;
	s20 =	sshll.u32 s4, $0x1;
	s4 =	sadd.s32 s21, s2  }
0x9d: {  	[timem:s6], [sflag:s22] =	dma.local [hbm:s4], s20  }
0x9e: {  	_ =	swait.ge [sflag:s22], s20  }
0x9f: {  	s3 =	ssub.s32 $0x0, s20;
	[sflag:s22] =	ssyncset.done $0x0  }
0xa0: {  	[sflag:s22] =	ssyncadd.s32 s3;
	_ =	sdelay $0x1  }
0xa1: {  	s23 =	simm.s32 $0x1B8B  }
0xa2: {  	_ =	swait.ge [sflag:s23], $0x1  }
0xa3: {  	[sflag:s23] =	ssyncset.done $0x0  }
0xa4: {  	s25 =	simm.s32 $0x1B8E;
	s24 =	sld [smem:$0x3FFE];
	[sflag:s23] =	ssyncadd.s32 $0xFFFFFFFF  }
0xa5: {  	s26 =	simm.s32 $execute0_lowered;
	[smem:$0x3FD2] =	sst s25  }
0xa6: {  	s4 =	sshll.u32 s26, $0x1;
	_ =	strace $0x80000046;
	[dreg:$0x1] =	wrdreg $0xFFFFFFFF  }
0xa7: {  	s28 =	simm.s32 $_size_execute0_lowered;
	s2 =	sadd.s32 s2, s4;
	[dreg:$0x0] =	wrdreg $0x0  }
0xa8: {  	s4 =	sshll.u32 s28, $0x1;
	[dreg:$0x2] =	wrdreg s2  }
0xa9: {  	[dreg:$0x3] =	wrdreg s4  }
0xaa: {  	[dreg:$0x4] =	wrdreg $0xC0  }
0xab: {  	_ =	task [dreg:s6], $0x5FFFF  }
0xac: {  	[dreg:$0x1] =	wrdreg $0xFFFFFFFF  }
0xad: {  	[dreg:$0x0] =	wrdreg $0x60  }
0xae: {  	[dreg:$0x2] =	wrdreg s24  }
0xaf: {  	[dreg:$0x3] =	wrdreg $0x9  }
0xb0: {  	_ =	task.clear_ibuf [dreg:s6], $0x4FFFF;
	_ =	strace $0x90000046  }
0xb1: {  	s29 =	simm.s32 $0x9;
	_ =	strace $0x80000048  }
0xb2: {  	_ =	swait.ge [sflag:s29], $0x1  }
0xb3: {  	[sflag:s29] =	ssyncadd.s32 $0xFFFFFFFF  }
0xb4: {  	_ =	strace $0x90000048  }
0xb5: {  	_ =	sfence  }
0xb6: {  	s30 =	sld [smem:$0x0];
	_ =	sdelay $0x2  }
0xb7: {  	s31 =	sshll.u32 s1, $0xD;
	s1 =	sshrl.u32 s1, $0x2  }
0xb8: {  	s3 =	sand.u32 $0x4000, s31;
	s1 =	sadd.s32 s1, s30  }
0xb9: {  	s0 =	sor.u32 s3, s0;
	s1 =	sshll.u32 s1, $0x11  }
0xba: {  	s0 =	sor.u32 s1, s0  }
0xbb: {  	s0 =	sadd.s32 $0x8F2B, s0  }
0xbc: {  	[sflag:s0] =	ssyncadd.remote.s32 $0x1  }
0xbd: {  	_ =	sfence.sel $0xFFFF  }
0xbe: {  	[dreg:$0x0] =	wrdreg $0xFFFFFFFF;
	(pc) =	sbr.abs _section_cstart, $3  }
0xbf: {  	[dreg:$0x1] =	wrdreg $0xFFFFFFFF  }
0xc0: {  	_ =	task.clear_ibuf [dreg:s6], $0x2FFFF;
	_ =	strace $0x9FFFFFFF  }
0xc1: {  	(tm) =	ssettm $0x7FFFFFFF  }
tec
execute0_lowered:
.L_overlay_start_1:
0x0: {  	(tag) =	ssettag $0x1  }
0x1: {  	s1 =	srdreg.scid  }
0x2: {  	s0 =	stileid.u32;
	s4 =	rddreg [dreg:$0x0]  }
0x3: {  	s2 =	simm.s32 $0x0;
	s3 =	sand.u32 $0x1, s1;
	s30 =	sshll.u32 s0, $0x1  }
0x4: {  	s10 =	simm.s32 $0x2280;
	s11 =	simm.s32 $0x2300;
	s5 =	sor.u32 s3, s30  }
0x5: {  	s12 =	simm.s32 $0x2380;
	s13 =	simm.s32 $0x2400;
	s6 =	smul.u32 $0x450, s5  }
0x6: {  	s14 =	simm.s32 $0x0;
	[smem:$0x7FF] =	sst s2;
	s5 =	smul.u32 $0x30, s5  }
0x7: {  	s1 =	rddreg [dreg:$0x1];
	_ =	strace $0x80000047;
	s7 =	ssub.s32 $0x2, s3  }
0x8: {  	s3 =	sadd.s32 $0x8E00, s4;
	s31 =	sshrl.u32 s7, $0x1;
	s5 =	sshrl.u32 s5, $0x3  }
0x9: {  	s9 =	ssub.s32 s7, s31;
	s6 =	sadd.s32 s6, s4;
	s8 =	sadd.s32 s5, s4  }
0xa: {  	s4 =	sadd.s32 $0x400, s6;
	s5 =	sadd.s32 $0x9000, s8;
	s6 =	sadd.s32 $0x9002, s8  }
0xb: {  	v0 =	vimm.s32 $0x0;
	v1 =	vimm.f32 $0.0e+00;
	s7 =	sadd.s32 $0x9004, s8;
	s8 =	smax.u32 s9, $0x1;
	s9 =	simm.s32 $0x1  }
.LBB2_1:
0xc: {  	[tilespmem:s2], [sflag:$0x1] =	stream.linear.gather [hbm4b:s4+s2], $0x2280, $0x38;
	[tilespmem:$0x2480] =	vst v63  }
0xd: {  	_ =	swait.ge [sflag:s9], $0x2280  }
0xe: {  	[sflag:s9] =	ssyncset.done $0x0  }
0xf: {  	[sflag:s9] =	ssyncadd.s32 $0xFFFFDD80  }
0x10: {  	[tilespmem:s10], [sflag:$0x1] =	stream.linear.gather [hbm4b:s3+s2], $0x80, $0x38;
	[tilespmem:$0x2480] =	vst v63  }
0x11: {  	_ =	swait.ge [sflag:s9], $0x80  }
0x12: {  	[sflag:s9] =	ssyncset.done $0x0  }
0x13: {  	[sflag:s9] =	ssyncadd.s32 $0xFFFFFF80  }
0x14: {  	v2 =	vld [tilespmem:$0x2280];
	_ =	sdelay $0x4  }
0x15: {  	(v2sf) =	vpush v2, $0x0;
	_ =	sdelay $0xd  }
0x16: {  	s16 =	simm.f32 $0.0e+00  }
0x17: {  	s18 =	simm.f32 $6.400000000e+01;
	s17 =	simm.s32 $0x0;
	s15 =	spop (v2sf)  }
.LBB2_2:
0x18: {  	s21 =	simm.s32 $0x40  }
0x19: {  	s19 =	sadd.f32 s18, s16;
	v4 =	vld [tilespmem:s21+$0xFFFFFFC0]  }
0x1a: {  	v6 =	vld [tilespmem:s21+$0xFFFFFFD0]  }
0x1b: {  	v7 =	vld [tilespmem:s21+$0xFFFFFFE0];
	s19 =	smul.f32 $5.000000000e-01, s19  }
0x1c: {  	v5 =	vld [tilespmem:s21+$0xFFFFFFF0]  }
0x1d: {  	v3 =	vld [tilespmem:s21+$0x0];
	v2 =	vmov s19  }
0x1e: {  	vm0 =	vgt.f32 v4, v2;
	v4 =	vld [tilespmem:s21+$0x10]  }
0x1f: {  	v8 =	vimm.s32 $0x0;
	v9 =	vsel vm0, $0x1, v0;
	vm0 =	vgt.f32 v6, v2;
	v6 =	vld [tilespmem:s21+$0x20]  }
0x20: {  	s20 =	simm.s32 $0x0;
	v8 =	vadd.s32 v9, v8;
	v9 =	vsel vm0, $0x1, v0;
	vm0 =	vgt.f32 v7, v2;
	v7 =	vld [tilespmem:s21+$0x30];
	s21 =	simm.s32 $0xC0  }
.LBB2_3:
0x21: {  	v10 =	vld [tilespmem:s21+$0xFFFFFFC0];
	s20 =	sadd.s32 $0x8, s20;
	v8 =	vadd.s32 v9, v8;
	v9 =	vsel vm0, $0x1, v0;
	vm0 =	vgt.f32 v5, v2  }
0x22: {  	v11 =	vld [tilespmem:s21+$0xFFFFFFD0];
	p0 =	slt.u32 s20, $0x220;
	v5 =	vadd.s32 v9, v8;
	v8 =	vsel vm0, $0x1, v0;
	vm0 =	vgt.f32 v3, v2  }
0x23: {  	v12 =	vld [tilespmem:s21+$0xFFFFFFE0];
	v3 =	vadd.s32 v8, v5;
	v8 =	vsel vm0, $0x1, v0;
	vm0 =	vgt.f32 v4, v2  }
.Ltmp0:
0x24: {  	v5 =	vld [tilespmem:s21+$0xFFFFFFF0];
	v4 =	vadd.s32 v8, v3;
	v8 =	vsel vm0, $0x1, v0;
	vm0 =	vgt.f32 v6, v2;
	(pc) =	sbr.rel @p0 .LBB2_3-.Ltmp0, $4  }
0x25: {  	v3 =	vld [tilespmem:s21+$0x0];
	v6 =	vadd.s32 v8, v4;
	v8 =	vsel vm0, $0x1, v0;
	vm0 =	vgt.f32 v7, v2  }
0x26: {  	vm1 =	vgt.f32 v10, v2;
	v4 =	vld [tilespmem:s21+$0x10];
	v7 =	vadd.s32 v8, v6;
	v8 =	vsel vm0, $0x1, v0  }
0x27: {  	v9 =	vsel vm1, $0x1, v0;
	vm0 =	vgt.f32 v11, v2;
	v6 =	vld [tilespmem:s21+$0x20];
	v7 =	vadd.s32 v8, v7  }
0x28: {  	v8 =	vadd.s32 v9, v7;
	v9 =	vsel vm0, $0x1, v0;
	vm0 =	vgt.f32 v12, v2;
	v7 =	vld [tilespmem:s21+$0x30];
	s21 =	sadd.s32 $0x80, s21  }
0x29: {  	v8 =	vadd.s32 v9, v8;
	v59 =	vsel vm0, $0x1, v0;
	vm11 =	vgt.f32 v5, v2  }
0x2a: {  	v60 =	vadd.s32 v59, v8;
	v61 =	vsel vm11, $0x1, v0;
	vm12 =	vgt.f32 v3, v2  }
0x2b: {  	v3 =	vadd.s32 v61, v60;
	v62 =	vsel vm12, $0x1, v0;
	vm13 =	vgt.f32 v4, v2  }
0x2c: {  	v3 =	vadd.s32 v62, v3;
	v4 =	vsel vm13, $0x1, v0;
	vm14 =	vgt.f32 v6, v2  }
0x2d: {  	v3 =	vadd.s32 v4, v3;
	v63 =	vsel vm14, $0x1, v0;
	vm15 =	vgt.f32 v7, v2  }
0x2e: {  	v2 =	vadd.s32 v63, v3;
	v3 =	vsel vm15, $0x1, v0  }
0x2f: {  	v2 =	vadd.s32 v3, v2  }
0x30: {  	(v2sf) =	vpush v2, $0x0  }
0x31: {  	(v2sf) =	vpush v2, $0x1  }
0x32: {  	(v2sf) =	vpush v2, $0x2  }
0x33: {  	(v2sf) =	vpush v2, $0x3  }
0x34: {  	(v2sf) =	vpush v2, $0x4  }
0x35: {  	(v2sf) =	vpush v2, $0x5  }
0x36: {  	(v2sf) =	vpush v2, $0x6  }
0x37: {  	(v2sf) =	vpush v2, $0x7  }
0x38: {  	(v2sf) =	vpush v2, $0x8  }
0x39: {  	(v2sf) =	vpush v2, $0x9  }
0x3a: {  	(v2sf) =	vpush v2, $0xA  }
0x3b: {  	(v2sf) =	vpush v2, $0xB  }
0x3c: {  	(v2sf) =	vpush v2, $0xC  }
0x3d: {  	(v2sf) =	vpush v2, $0xD  }
0x3e: {  	(v2sf) =	vpush v2, $0xE  }
0x3f: {  	s20 =	spop (v2sf);
	(v2sf) =	vpush v2, $0xF  }
0x40: {  	s21 =	spop (v2sf)  }
0x41: {  	s20 =	sadd.s32 s21, s20;
	s26 =	spop (v2sf)  }
0x42: {  	s20 =	sadd.s32 s26, s20;
	s28 =	spop (v2sf)  }
0x43: {  	s20 =	sadd.s32 s28, s20;
	s29 =	spop (v2sf)  }
0x44: {  	s20 =	sadd.s32 s29, s20;
	s30 =	spop (v2sf)  }
0x45: {  	s20 =	sadd.s32 s30, s20;
	s31 =	spop (v2sf)  }
0x46: {  	s20 =	sadd.s32 s31, s20;
	s22 =	spop (v2sf)  }
0x47: {  	s20 =	sadd.s32 s22, s20;
	s23 =	spop (v2sf)  }
0x48: {  	s20 =	sadd.s32 s23, s20;
	s24 =	spop (v2sf)  }
0x49: {  	s20 =	sadd.s32 s24, s20;
	s25 =	spop (v2sf)  }
0x4a: {  	s20 =	sadd.s32 s25, s20;
	s26 =	spop (v2sf)  }
0x4b: {  	s20 =	sadd.s32 s26, s20;
	s28 =	spop (v2sf)  }
0x4c: {  	s20 =	sadd.s32 s28, s20;
	s29 =	spop (v2sf)  }
0x4d: {  	s20 =	sadd.s32 s29, s20;
	s30 =	spop (v2sf)  }
0x4e: {  	s20 =	sadd.s32 s30, s20;
	s31 =	spop (v2sf)  }
0x4f: {  	s20 =	sadd.s32 s31, s20  }
0x50: {  	s17 =	sadd.s32 $0x1, s17;
	p0 =	sgt.s32 s20, s15  }
0x51: {  	s16 =	smov.u32 @p0 s19;
	s19 =	smov.u32 @p0 s18;
	p0 =	sne.s32 s17, $0x22  }
.Ltmp1:
0x52: {  	_ = 	snop;
	(pc) =	sbr.rel @p0 .LBB2_2-.Ltmp1, $2  }
0x53: {  	_ =	sdelay $0x2  }
0x54: {  	s18 =	smov.u32 s19  }
0x55: {  	s16 =	simm.s32 $0x40  }
0x56: {  	v3 =	vld [tilespmem:s16+$0xFFFFFFC0];
	_ =	sdelay $0x1  }
0x57: {  	v4 =	vld [tilespmem:s16+$0xFFFFFFD0];
	_ =	sdelay $0x1  }
0x58: {  	v2 =	vmov s19;
	v5 =	vld [tilespmem:s16+$0xFFFFFFE0]  }
0x59: {  	vm0 =	vgt.f32 v3, v2  }
0x5a: {  	v6 =	vimm.f32 $0.0e+00;
	v8 =	vld [tilespmem:s16+$0xFFFFFFF0];
	v3 =	vnsel vm0, $0x0, v3;
	v7 =	vsel vm0, $0x3F800000, v1  }
0x5b: {  	vm0 =	vgt.f32 v4, v2;
	v3 =	vadd.f32 v3, v6;
	v6 =	vadd.f32 v7, v6  }
0x5c: {  	v4 =	vnsel vm0, $0x0, v4;
	v7 =	vsel vm0, $0x3F800000, v1  }
0x5d: {  	v9 =	vld [tilespmem:s16+$0x0];
	vm0 =	vgt.f32 v5, v2;
	v4 =	vadd.f32 v4, v3;
	v6 =	vadd.f32 v7, v6  }
0x5e: {  	v5 =	vnsel vm0, $0x0, v5;
	v7 =	vsel vm0, $0x3F800000, v1  }
0x5f: {  	v3 =	vld [tilespmem:s16+$0x10];
	vm0 =	vgt.f32 v8, v2;
	v4 =	vadd.f32 v5, v4;
	v5 =	vadd.f32 v7, v6  }
0x60: {  	v7 =	vsel vm0, $0x3F800000, v1  }
0x61: {  	v6 =	vnsel vm0, $0x0, v8;
	v8 =	vadd.f32 v7, v5;
	v5 =	vld [tilespmem:s16+$0x20]  }
0x62: {  	vm0 =	vgt.f32 v9, v2;
	v6 =	vadd.f32 v6, v4  }
0x63: {  	v63 =	vsel vm0, $0x3F800000, v1;
	v7 =	vnsel vm0, $0x0, v9;
	v4 =	vld [tilespmem:s16+$0x30]  }
0x64: {  	s15 =	simm.s32 $0x0;
	s16 =	simm.s32 $0xC0;
	vm0 =	vgt.f32 v3, v2;
	v7 =	vadd.f32 v7, v6;
	v6 =	vadd.f32 v63, v8  }
.LBB2_6:
0x65: {  	v8 =	vld [tilespmem:s16+$0xFFFFFFC0];
	s15 =	sadd.s32 $0x8, s15;
	v3 =	vnsel vm0, $0x0, v3;
	v9 =	vsel vm0, $0x3F800000, v1  }
0x66: {  	p0 =	slt.u32 s15, $0x220;
	v3 =	vadd.f32 v3, v7;
	v6 =	vadd.f32 v9, v6;
	vm0 =	vgt.f32 v5, v2  }
0x67: {  	v7 =	vld [tilespmem:s16+$0xFFFFFFD0];
	v5 =	vnsel vm0, $0x0, v5;
	v9 =	vsel vm0, $0x3F800000, v1  }
0x68: {  	v3 =	vadd.f32 v5, v3;
	v5 =	vadd.f32 v9, v6;
	vm0 =	vgt.f32 v4, v2  }
0x69: {  	v6 =	vld [tilespmem:s16+$0xFFFFFFE0];
	v4 =	vnsel vm0, $0x0, v4;
	v9 =	vsel vm0, $0x3F800000, v1  }
0x6a: {  	vm0 =	vgt.f32 v8, v2;
	v3 =	vadd.f32 v4, v3;
	v4 =	vadd.f32 v9, v5  }
0x6b: {  	v5 =	vnsel vm0, $0x0, v8;
	v8 =	vsel vm0, $0x3F800000, v1;
	v9 =	vld [tilespmem:s16+$0xFFFFFFF0]  }
0x6c: {  	v3 =	vadd.f32 v5, v3;
	v4 =	vadd.f32 v8, v4;
	vm0 =	vgt.f32 v7, v2  }
0x6d: {  	v5 =	vnsel vm0, $0x0, v7;
	v7 =	vsel vm0, $0x3F800000, v1;
	v8 =	vld [tilespmem:s16+$0x0]  }
0x6e: {  	v5 =	vadd.f32 v5, v3;
	v4 =	vadd.f32 v7, v4;
	vm0 =	vgt.f32 v6, v2  }
0x6f: {  	v6 =	vnsel vm0, $0x0, v6;
	v7 =	vsel vm0, $0x3F800000, v1;
	v3 =	vld [tilespmem:s16+$0x10]  }
.Ltmp2:
0x70: {  	v6 =	vadd.f32 v6, v5;
	v4 =	vadd.f32 v7, v4;
	vm0 =	vgt.f32 v9, v2;
	(pc) =	sbr.rel @p0 .LBB2_6-.Ltmp2, $4  }
0x71: {  	v7 =	vnsel vm0, $0x0, v9;
	v9 =	vsel vm0, $0x3F800000, v1;
	v5 =	vld [tilespmem:s16+$0x20]  }
0x72: {  	v6 =	vadd.f32 v7, v6;
	v9 =	vadd.f32 v9, v4;
	vm0 =	vgt.f32 v8, v2  }
0x73: {  	v7 =	vnsel vm0, $0x0, v8;
	v8 =	vsel vm0, $0x3F800000, v1;
	v4 =	vld [tilespmem:s16+$0x30]  }
0x74: {  	s16 =	sadd.s32 $0x80, s16;
	v7 =	vadd.f32 v7, v6;
	v6 =	vadd.f32 v8, v9;
	vm0 =	vgt.f32 v3, v2  }
0x75: {  	v3 =	vnsel vm0, $0x0, v3  }
0x76: {  	v8 =	vsel vm0, $0x3F800000, v1;
	v3 =	vadd.f32 v3, v7;
	vm14 =	vgt.f32 v5, v2  }
0x77: {  	v6 =	vadd.f32 v8, v6;
	v5 =	vnsel vm14, $0x0, v5  }
0x78: {  	v60 =	vsel vm14, $0x3F800000, v1;
	v3 =	vadd.f32 v5, v3;
	vm15 =	vgt.f32 v4, v2  }
0x79: {  	v61 =	vadd.f32 v60, v6;
	v4 =	vnsel vm15, $0x0, v4  }
0x7a: {  	v62 =	vsel vm15, $0x3F800000, v1;
	v3 =	vadd.f32 v4, v3  }
0x7b: {  	[tilespmem:$0x2400] =	vst v2;
	v63 =	vadd.f32 v62, v61  }
0x7c: {  	[tilespmem:$0x2300] =	vst v3  }
0x7d: {  	[tilespmem:$0x2380] =	vst v63  }
0x7e: {  	[hbm4b:s5+s2] =	stream.linear.scatter [tilespmem:s11], [sflag:$0x1], $0x10, $0x38;
	[tilespmem:$0x2480] =	vst v63  }
0x7f: {  	_ =	swait.ge [sflag:s9], $0x10  }
0x80: {  	[sflag:s9] =	ssyncset.done $0x0  }
0x81: {  	[sflag:s9] =	ssyncadd.s32 $0xFFFFFFF0  }
0x82: {  	[hbm4b:s6+s2] =	stream.linear.scatter [tilespmem:s12], [sflag:$0x1], $0x10, $0x38;
	[tilespmem:$0x2480] =	vst v63  }
0x83: {  	s14 =	sadd.s32 $0x1, s14;
	_ =	swait.ge [sflag:s9], $0x10  }
0x84: {  	p0 =	sne.s32 s14, s8;
	[sflag:s9] =	ssyncset.done $0x0  }
.Ltmp3:
0x85: {  	[sflag:s9] =	ssyncadd.s32 $0xFFFFFFF0;
	(pc) =	sbr.rel @p0 .LBB2_1-.Ltmp3, $4  }
0x86: {  	[hbm4b:s7+s2] =	stream.linear.scatter [tilespmem:s13], [sflag:$0x1], $0x10, $0x38;
	[tilespmem:$0x2480] =	vst v63  }
0x87: {  	_ =	swait.ge [sflag:s9], $0x10  }
0x88: {  	[sflag:s9] =	ssyncset.done $0x0  }
0x89: {  	[sflag:s9] =	ssyncadd.s32 $0xFFFFFFF0  }
0x8a: {  	_ =	sfence.sel $0x180000  }
0x8b: {  	[bflag:$0x0] =	sbarrier.arrive $0xFFFF  }
0x8c: {  	p0 =	sne.s32 s0, $0x0;
	_ =	strace $0x90000047  }
0x8d: {  	s0 =	sadd.s32 @!p0 $0x100000, s1;
	[bflag:$0x2] =	sbarrier.arrive $0xFFFF  }
0x8e: {  	[sflag:s0] =	ssyncadd.tile.s32 @!p0 $0x1;
	_ =	shalt  }
.Lfunc_end2:
_tile_overlayer_lowered:
.L_overlay_start_2:
0x8f: {  	(tag) =	ssettag $0x2  }
0x90: {  	s0 =	rddreg [dreg:$0x0];
	s2 =	stileid.u32  }
0x91: {  	s1 =	rddreg [dreg:$0x1];
	p0 =	sne.s32 s2, $0x0  }
0x92: {  	s3 =	rddreg [dreg:$0x2];
	[bflag:$0x3] =	sbarrier.arrive $0xFFFF;
	s2 =	simm.s32 @!p0 $0x1C01  }
0x93: {  	[timem:s3], [sflag:s2] =	dma.local @!p0 [hbm:s0], s1  }
0x94: {  	s0 =	simm.s32 @!p0 $0x1  }
0x95: {  	_ =	swait.ge @!p0 [sflag:s0], s1  }
0x96: {  	s1 =	ssub.s32 @!p0 $0x0, s1;
	[sflag:s0] =	ssyncset.done @!p0 $0x0  }
0x97: {  	[sflag:s0] =	ssyncadd.s32 @!p0 s1  }
0x98: {  	[bflag:$0x3] =	sbarrier.arrive $0xFFFF  }
0x99: {  	_ =	shalt  }

</sc_bundles>
